<compile_context>
chip_gen: v7x
topology: tpu7x:2x2x1
jax: 0.10.2.dev20260603
libtpu: 0.0.44.dev20260713+nightly
codegen_flags: <defaults>
</compile_context>

<pallas_src>
import jax
import jax.numpy as jnp
from jax import lax
from jax.experimental import pallas as pl
from jax.experimental.pallas import tpu as pltpu
from jax.experimental.pallas import tpu_sc as plsc

HOT_N, COLD_N, D, B = 1000, 10000, 256, 4096
OUT_N = HOT_N + B + COLD_N
NW = 32
L = 16
HOT_W = 32
COLD_S = 312
COLD_W = 328
BS = (88, 80, 80, 80)
NBUF = 3
ACL_W = COLD_W
B_PER_W = B // NW


def _zero_row(buf, i):
    z = jnp.zeros((L,), jnp.float32)
    for col in range(D // L):
        buf[i, pl.ds(col * L, L)] = z


def _body(hot_hbm, cold_hbm, ac_hbm, idx_hbm, out_hbm,
          idx_v, idx2_v, acl_v, acg_v, hotbuf, rows_v, flag_v, mrow_v,
          cbufs, sem_idx, sem_idx2, sem_acl, sem_hot, gsems, sem_ag, rsems,
          lsems, ssems):
    wid = lax.axis_index("s") * 2 + lax.axis_index("c")
    lo = wid * COLD_S

    base2 = wid * B_PER_W
    cp_idx2 = pltpu.async_copy(idx_hbm.at[pl.ds(base2, B_PER_W)], idx2_v,
                               sem_idx2)
    cp_idx = pltpu.async_copy(idx_hbm, idx_v, sem_idx)
    cp_acl = pltpu.async_copy(ac_hbm.at[pl.ds(lo, ACL_W)],
                              acl_v.at[pl.ds(0, ACL_W)], sem_acl)
    starts = [sum(BS[:b]) for b in range(len(BS))]
    loads = [None] * len(BS)
    for b in range(NBUF):
        loads[b] = pltpu.async_copy(
            cold_hbm.at[pl.ds(lo + starts[b], BS[b])],
            cbufs[b].at[pl.ds(0, BS[b])], lsems[b])
    hstart = jnp.minimum(wid * HOT_W, HOT_N - HOT_W)
    cp_hl = pltpu.async_copy(hot_hbm.at[pl.ds(hstart, HOT_W)], hotbuf, sem_hot)

    cp_idx2.wait()

    R2C = B_PER_W // 2
    cp_g = [pltpu.async_copy(cold_hbm.at[idx2_v.at[pl.ds(c * R2C, R2C)]],
                             rows_v.at[pl.ds(c * R2C, R2C)], gsems[c])
            for c in range(2)]
    cp_ag = pltpu.async_copy(ac_hbm.at[idx2_v], acg_v, sem_ag)

    cp_hl.wait()
    cp_hs = pltpu.async_copy(hotbuf, out_hbm.at[pl.ds(hstart, HOT_W)], sem_hot)

    cp_idx.wait()

    def zbody(j, c):
        flag_v[pl.ds(j * L, L)] = jnp.zeros((L,), jnp.int32)
        return c

    lax.fori_loop(0, (COLD_W + 2 * L - 1) // L, zbody, 0)

    ones_i = jnp.ones((L,), jnp.int32)

    def fbody(j, c):
        for u in range(2):
            idx16 = idx_v[pl.ds((2 * j + u) * L, L)]
            m = (idx16 >= lo) & (idx16 < lo + COLD_W)
            loc = jnp.where(m, idx16 - lo, 0)
            plsc.store_scatter(flag_v, [loc], ones_i, mask=m)
        return c

    lax.fori_loop(0, B // (2 * L), fbody, 0)

    cp_acl.wait()

    def combody(j, c):
        hit = flag_v[pl.ds(j * L, L)]
        acb = acl_v[pl.ds(j * L, L)]
        keep = (hit > 0) & (acb > 5.0)
        flag_v[pl.ds(j * L, L)] = jnp.where(keep, 1, 0).astype(jnp.int32)
        return c

    lax.fori_loop(0, (COLD_W + L - 1) // L, combody, 0)

    stores = [None] * len(BS)

    def _do_block(b):
        buf = cbufs[b % NBUF]
        loads[b].wait()

        def cbody(i, c, _s=starts[b], _buf=buf):
            @pl.when(flag_v[pl.ds(_s + i, L)][0] > 0)
            def _():
                _zero_row(_buf, i)
            return c

        lax.fori_loop(0, BS[b], cbody, 0)
        stores[b] = pltpu.async_copy(
            buf.at[pl.ds(0, BS[b])],
            out_hbm.at[pl.ds(HOT_N + B + lo + starts[b], BS[b])],
            ssems[b % NBUF])
        if b + NBUF < len(BS):
            stores[b].wait()
            loads[b + NBUF] = pltpu.async_copy(
                cold_hbm.at[pl.ds(lo + starts[b + NBUF], BS[b + NBUF])],
                cbufs[b % NBUF].at[pl.ds(0, BS[b + NBUF])], lsems[b % NBUF])

    cp_r2 = [None, None]

    def _do_r2_chunk(c):
        cp_g[c].wait()

        def r2body(i, cc, _c=c):
            @pl.when(mrow_v[pl.ds(_c * R2C + i, L)][0] > 0)
            def _():
                _zero_row(rows_v, _c * R2C + i)
            return cc

        lax.fori_loop(0, R2C, r2body, 0)
        cp_r2[c] = pltpu.async_copy(
            rows_v.at[pl.ds(c * R2C, R2C)],
            out_hbm.at[pl.ds(HOT_N + base2 + c * R2C, R2C)], rsems[c])

    _do_block(0)

    cp_ag.wait()

    def mbody(j, c):
        acg = acg_v[pl.ds(j * L, L)]
        mrow_v[pl.ds(j * L, L)] = jnp.where(acg > 5.0, 0, 1).astype(jnp.int32)
        return c

    lax.fori_loop(0, B_PER_W // L, mbody, 0)

    _do_r2_chunk(0)
    _do_block(1)
    _do_r2_chunk(1)
    for b in range(2, len(BS)):
        _do_block(b)

    for b in range(max(0, len(BS) - NBUF), len(BS)):
        stores[b].wait()
    cp_r2[0].wait()
    cp_r2[1].wait()
    cp_hs.wait()


def _body_flat(hot_hbm, cold_hbm, ac_hbm, idx_hbm, out_hbm,
               idx_v, idx2_v, acl_v, acg_v, hotbuf, rows_v, flag_v, mrow_v,
               cb0, cb1, cb2, sem_idx, sem_idx2, sem_acl, sem_hot, g0, g1,
               sem_ag, r0, r1, l0, l1, l2, s0, s1, s2):
    _body(hot_hbm, cold_hbm, ac_hbm, idx_hbm, out_hbm,
          idx_v, idx2_v, acl_v, acg_v, hotbuf, rows_v, flag_v, mrow_v,
          (cb0, cb1, cb2), sem_idx, sem_idx2, sem_acl, sem_hot, (g0, g1),
          sem_ag, (r0, r1), (l0, l1, l2), (s0, s1, s2))


@jax.jit
def kernel(hot_data, cold_data, access_counter, indices):
    kfn = pl.kernel(
        _body_flat,
        out_type=jax.ShapeDtypeStruct((OUT_N, D), jnp.float32),
        scratch_types=[
            pltpu.VMEM((B,), jnp.int32),
            pltpu.VMEM((B_PER_W,), jnp.int32),
            pltpu.VMEM((ACL_W + 2 * L,), jnp.float32),
            pltpu.VMEM((B_PER_W,), jnp.float32),
            pltpu.VMEM((HOT_W, D), jnp.float32),
            pltpu.VMEM((B_PER_W, D), jnp.float32),
            pltpu.VMEM((COLD_W + 2 * L,), jnp.int32),
            pltpu.VMEM((B_PER_W + L,), jnp.int32),
            pltpu.VMEM((max(BS), D), jnp.float32),
            pltpu.VMEM((max(BS), D), jnp.float32),
            pltpu.VMEM((max(BS), D), jnp.float32),
            pltpu.SemaphoreType.DMA,
            pltpu.SemaphoreType.DMA,
            pltpu.SemaphoreType.DMA,
            pltpu.SemaphoreType.DMA,
            pltpu.SemaphoreType.DMA,
            pltpu.SemaphoreType.DMA,
            pltpu.SemaphoreType.DMA,
            pltpu.SemaphoreType.DMA,
            pltpu.SemaphoreType.DMA,
            pltpu.SemaphoreType.DMA,
            pltpu.SemaphoreType.DMA,
            pltpu.SemaphoreType.DMA,
            pltpu.SemaphoreType.DMA,
            pltpu.SemaphoreType.DMA,
            pltpu.SemaphoreType.DMA,
        ],
        mesh=plsc.VectorSubcoreMesh(core_axis_name="c", subcore_axis_name="s"),
        compiler_params=pltpu.CompilerParams(needs_layout_passes=False),
    )
    return kfn(hot_data, cold_data, access_counter, indices)

# --- scband reference (transcript-rebuilt; emitter-appended) ---
"""Pipeline reference for scband-tiered-memory-60550448939394 (READ-ONLY COPY).

The authoritative reference and input builder live on the scoring server;
editing this copy changes nothing except your own understanding.
"""

import jax, jax.numpy as jnp
import numpy as np

HOT_N, COLD_N, D, B = 1000, 10000, 256, 4096

def setup_inputs(seed: int = 0) -> dict:
    key = jax.random.key(seed)
    k1, k2, k3, k4 = jax.random.split(key, 4)
    hot_data = jax.random.normal(k1, (HOT_N, D), dtype=jnp.float32)
    cold_data = jax.random.normal(k2, (COLD_N, D), dtype=jnp.float32)
    # access_counter is a float buffer; scale uniform to [0, 10) so the >5 threshold
    # selects ~half of the accessed rows (the zeros-initialized buffer would be degenerate).
    access_counter = jax.random.uniform(k3, (COLD_N,), dtype=jnp.float32) * 10.0
    indices = jax.random.randint(k4, (B,), 0, COLD_N, dtype=jnp.int32)
    return {"hot_data": hot_data, "cold_data": cold_data, "access_counter": access_counter, "indices": indices}

def reference(hot_data, cold_data, access_counter, indices):
    # promote(indices):
    #   mask = access_counter[indices] > 5
    #   hot_data = cat([hot_data, cold_data[indices][mask]])
    #   cold_data[indices[mask]] = 0
    # Static-shape translation: masked rows are zeroed instead of dropped so the
    # appended block has fixed size [B, D].
    mask = access_counter[indices] > 5.0          # [B] bool
    gathered = jnp.take(cold_data, indices, axis=0)  # gather [B, D]
    promoted = gathered * mask[:, None].astype(gathered.dtype)
    hot_new = jnp.concatenate([hot_data, promoted], axis=0)  # [HOT_N + B, D]
    # scatter-overwrite: zero out promoted rows in cold tier, keep others unchanged
    cold_new = cold_data.at[indices].set(jnp.where(mask[:, None], 0.0, gathered))
    # return full updated tiered state as one array [HOT_N + B + COLD_N, D]
    return jnp.concatenate([hot_new, cold_new], axis=0)

if __name__ == "__main__":
    import jax
    _d = setup_inputs()
    print(jax.jit(kernel)(*tuple(_d.values())))

</pallas_src>

<mosaic_0001>
#map = affine_map<(d0, d1) -> (0, 0)>
#map1 = affine_map<(d0, d1) -> (0)>
module attributes {stable_mosaic.version = 14 : i64} {
  func.func @_body_flat(%arg0: i32, %arg1: i32, %arg2: memref<1000x256xf32, #tpu.memory_space<hbm>>, %arg3: memref<10000x256xf32, #tpu.memory_space<hbm>>, %arg4: memref<10000xf32, #tpu.memory_space<hbm>>, %arg5: memref<4096xi32, #tpu.memory_space<hbm>>, %arg6: memref<15096x256xf32, #tpu.memory_space<hbm>>, %arg7: memref<4096xi32, #tpu.memory_space<vmem>>, %arg8: memref<128xi32, #tpu.memory_space<vmem>>, %arg9: memref<360xf32, #tpu.memory_space<vmem>>, %arg10: memref<128xf32, #tpu.memory_space<vmem>>, %arg11: memref<32x256xf32, #tpu.memory_space<vmem>>, %arg12: memref<128x256xf32, #tpu.memory_space<vmem>>, %arg13: memref<360xi32, #tpu.memory_space<vmem>>, %arg14: memref<144xi32, #tpu.memory_space<vmem>>, %arg15: memref<88x256xf32, #tpu.memory_space<vmem>>, %arg16: memref<88x256xf32, #tpu.memory_space<vmem>>, %arg17: memref<88x256xf32, #tpu.memory_space<vmem>>, %arg18: memref<!tpu.dma_semaphore, #tpu.memory_space<semaphore_mem>>, %arg19: memref<!tpu.dma_semaphore, #tpu.memory_space<semaphore_mem>>, %arg20: memref<!tpu.dma_semaphore, #tpu.memory_space<semaphore_mem>>, %arg21: memref<!tpu.dma_semaphore, #tpu.memory_space<semaphore_mem>>, %arg22: memref<!tpu.dma_semaphore, #tpu.memory_space<semaphore_mem>>, %arg23: memref<!tpu.dma_semaphore, #tpu.memory_space<semaphore_mem>>, %arg24: memref<!tpu.dma_semaphore, #tpu.memory_space<semaphore_mem>>, %arg25: memref<!tpu.dma_semaphore, #tpu.memory_space<semaphore_mem>>, %arg26: memref<!tpu.dma_semaphore, #tpu.memory_space<semaphore_mem>>, %arg27: memref<!tpu.dma_semaphore, #tpu.memory_space<semaphore_mem>>, %arg28: memref<!tpu.dma_semaphore, #tpu.memory_space<semaphore_mem>>, %arg29: memref<!tpu.dma_semaphore, #tpu.memory_space<semaphore_mem>>, %arg30: memref<!tpu.dma_semaphore, #tpu.memory_space<semaphore_mem>>, %arg31: memref<!tpu.dma_semaphore, #tpu.memory_space<semaphore_mem>>, %arg32: memref<!tpu.dma_semaphore, #tpu.memory_space<semaphore_mem>>) attributes {dimension_semantics = [#tpu.dimension_semantics<core_parallel>, #tpu.dimension_semantics<subcore_parallel>], iteration_bounds = array<i64: 2, 16>, scalar_prefetch = 0 : i64, scratch_operands = 26 : i64, tpu.core_type = #tpu.core_type<sc_vector_subcore>, window_params = [{transform_indices = #map}, {transform_indices = #map}, {transform_indices = #map1}, {transform_indices = #map1}, {transform_indices = #map}]} {
    %mul3A = arith.constant 2 : i32
    %mul3A_0 = arith.muli %arg1, %mul3A : i32
    %add3A = arith.addi %mul3A_0, %arg0 : i32
    %mul3A_1 = arith.constant 312 : i32
    %mul3A_2 = arith.muli %add3A, %mul3A_1 : i32
    %mul3A_3 = arith.constant 128 : i32
    %mul3A_4 = arith.muli %add3A, %mul3A_3 : i32
    %dma_start3A = tpu.memref_slice %arg5[%mul3A_4] : memref<4096xi32, #tpu.memory_space<hbm>> -> memref<128xi32, #tpu.memory_space<hbm>>
    %dma_start3A_5 = tpu.memref_slice %arg5[%mul3A_4] : memref<4096xi32, #tpu.memory_space<hbm>> -> memref<128xi32, #tpu.memory_space<hbm>>
    tpu.enqueue_dma source(%dma_start3A_5 : memref<128xi32, #tpu.memory_space<hbm>>) target(%arg8 : memref<128xi32, #tpu.memory_space<vmem>>) target_semaphore(%arg19 : memref<!tpu.dma_semaphore, #tpu.memory_space<semaphore_mem>>)
    tpu.enqueue_dma source(%arg5 : memref<4096xi32, #tpu.memory_space<hbm>>) target(%arg7 : memref<4096xi32, #tpu.memory_space<vmem>>) target_semaphore(%arg18 : memref<!tpu.dma_semaphore, #tpu.memory_space<semaphore_mem>>)
    %dma_start3A_6 = arith.constant 0 : i32
    %dma_start3A_7 = tpu.memref_slice %arg9[%dma_start3A_6] : memref<360xf32, #tpu.memory_space<vmem>> -> memref<328xf32, #tpu.memory_space<vmem>>
    %dma_start3A_8 = tpu.memref_slice %arg4[%mul3A_2] : memref<10000xf32, #tpu.memory_space<hbm>> -> memref<328xf32, #tpu.memory_space<hbm>>
    %dma_start3A_9 = arith.constant 0 : i32
    %dma_start3A_10 = tpu.memref_slice %arg9[%dma_start3A_9] : memref<360xf32, #tpu.memory_space<vmem>> -> memref<328xf32, #tpu.memory_space<vmem>>
    %dma_start3A_11 = tpu.memref_slice %arg4[%mul3A_2] : memref<10000xf32, #tpu.memory_space<hbm>> -> memref<328xf32, #tpu.memory_space<hbm>>
    tpu.enqueue_dma source(%dma_start3A_11 : memref<328xf32, #tpu.memory_space<hbm>>) target(%dma_start3A_10 : memref<328xf32, #tpu.memory_space<vmem>>) target_semaphore(%arg20 : memref<!tpu.dma_semaphore, #tpu.memory_space<semaphore_mem>>)
    %add3A_12 = arith.constant 0 : i32
    %add3A_13 = arith.addi %mul3A_2, %add3A_12 : i32
    %dma_start3A_14 = arith.constant 0 : i32
    %dma_start3A_15 = arith.constant 0 : i32
    %dma_start3A_16 = tpu.memref_slice %arg15[%dma_start3A_14, %dma_start3A_15] : memref<88x256xf32, #tpu.memory_space<vmem>> -> memref<88x256xf32, #tpu.memory_space<vmem>>
    %dma_start3A_17 = arith.constant 0 : i32
    %dma_start3A_18 = tpu.memref_slice %arg3[%add3A_13, %dma_start3A_17] : memref<10000x256xf32, #tpu.memory_space<hbm>> -> memref<88x256xf32, #tpu.memory_space<hbm>>
    %dma_start3A_19 = arith.constant 0 : i32
    %dma_start3A_20 = arith.constant 0 : i32
    %dma_start3A_21 = tpu.memref_slice %arg15[%dma_start3A_19, %dma_start3A_20] : memref<88x256xf32, #tpu.memory_space<vmem>> -> memref<88x256xf32, #tpu.memory_space<vmem>>
    %dma_start3A_22 = arith.constant 0 : i32
    %dma_start3A_23 = tpu.memref_slice %arg3[%add3A_13, %dma_start3A_22] : memref<10000x256xf32, #tpu.memory_space<hbm>> -> memref<88x256xf32, #tpu.memory_space<hbm>>
    tpu.enqueue_dma source(%dma_start3A_23 : memref<88x256xf32, #tpu.memory_space<hbm>>) target(%dma_start3A_21 : memref<88x256xf32, #tpu.memory_space<vmem>>) target_semaphore(%arg27 : memref<!tpu.dma_semaphore, #tpu.memory_space<semaphore_mem>>)
    %add3A_24 = arith.constant 88 : i32
    %add3A_25 = arith.addi %mul3A_2, %add3A_24 : i32
    %dma_start3A_26 = arith.constant 0 : i32
    %dma_start3A_27 = arith.constant 0 : i32
    %dma_start3A_28 = tpu.memref_slice %arg16[%dma_start3A_26, %dma_start3A_27] : memref<88x256xf32, #tpu.memory_space<vmem>> -> memref<80x256xf32, #tpu.memory_space<vmem>>
    %dma_start3A_29 = arith.constant 0 : i32
    %dma_start3A_30 = tpu.memref_slice %arg3[%add3A_25, %dma_start3A_29] : memref<10000x256xf32, #tpu.memory_space<hbm>> -> memref<80x256xf32, #tpu.memory_space<hbm>>
    %dma_start3A_31 = arith.constant 0 : i32
    %dma_start3A_32 = arith.constant 0 : i32
    %dma_start3A_33 = tpu.memref_slice %arg16[%dma_start3A_31, %dma_start3A_32] : memref<88x256xf32, #tpu.memory_space<vmem>> -> memref<80x256xf32, #tpu.memory_space<vmem>>
    %dma_start3A_34 = arith.constant 0 : i32
    %dma_start3A_35 = tpu.memref_slice %arg3[%add3A_25, %dma_start3A_34] : memref<10000x256xf32, #tpu.memory_space<hbm>> -> memref<80x256xf32, #tpu.memory_space<hbm>>
    tpu.enqueue_dma source(%dma_start3A_35 : memref<80x256xf32, #tpu.memory_space<hbm>>) target(%dma_start3A_33 : memref<80x256xf32, #tpu.memory_space<vmem>>) target_semaphore(%arg28 : memref<!tpu.dma_semaphore, #tpu.memory_space<semaphore_mem>>)
    %add3A_36 = arith.constant 168 : i32
    %add3A_37 = arith.addi %mul3A_2, %add3A_36 : i32
    %dma_start3A_38 = arith.constant 0 : i32
    %dma_start3A_39 = arith.constant 0 : i32
    %dma_start3A_40 = tpu.memref_slice %arg17[%dma_start3A_38, %dma_start3A_39] : memref<88x256xf32, #tpu.memory_space<vmem>> -> memref<80x256xf32, #tpu.memory_space<vmem>>
    %dma_start3A_41 = arith.constant 0 : i32
    %dma_start3A_42 = tpu.memref_slice %arg3[%add3A_37, %dma_start3A_41] : memref<10000x256xf32, #tpu.memory_space<hbm>> -> memref<80x256xf32, #tpu.memory_space<hbm>>
    %dma_start3A_43 = arith.constant 0 : i32
    %dma_start3A_44 = arith.constant 0 : i32
    %dma_start3A_45 = tpu.memref_slice %arg17[%dma_start3A_43, %dma_start3A_44] : memref<88x256xf32, #tpu.memory_space<vmem>> -> memref<80x256xf32, #tpu.memory_space<vmem>>
    %dma_start3A_46 = arith.constant 0 : i32
    %dma_start3A_47 = tpu.memref_slice %arg3[%add3A_37, %dma_start3A_46] : memref<10000x256xf32, #tpu.memory_space<hbm>> -> memref<80x256xf32, #tpu.memory_space<hbm>>
    tpu.enqueue_dma source(%dma_start3A_47 : memref<80x256xf32, #tpu.memory_space<hbm>>) target(%dma_start3A_45 : memref<80x256xf32, #tpu.memory_space<vmem>>) target_semaphore(%arg29 : memref<!tpu.dma_semaphore, #tpu.memory_space<semaphore_mem>>)
    %mul3A_48 = arith.constant 32 : i32
    %mul3A_49 = arith.muli %add3A, %mul3A_48 : i32
    %min3A = arith.constant 968 : i32
    %min3A_50 = arith.minsi %mul3A_49, %min3A : i32
    %dma_start3A_51 = arith.constant 0 : i32
    %dma_start3A_52 = tpu.memref_slice %arg2[%min3A_50, %dma_start3A_51] : memref<1000x256xf32, #tpu.memory_space<hbm>> -> memref<32x256xf32, #tpu.memory_space<hbm>>
    %dma_start3A_53 = arith.constant 0 : i32
    %dma_start3A_54 = tpu.memref_slice %arg2[%min3A_50, %dma_start3A_53] : memref<1000x256xf32, #tpu.memory_space<hbm>> -> memref<32x256xf32, #tpu.memory_space<hbm>>
    tpu.enqueue_dma source(%dma_start3A_54 : memref<32x256xf32, #tpu.memory_space<hbm>>) target(%arg11 : memref<32x256xf32, #tpu.memory_space<vmem>>) target_semaphore(%arg21 : memref<!tpu.dma_semaphore, #tpu.memory_space<semaphore_mem>>)
    %dma_wait3A = tpu.memref_slice %arg5[%mul3A_4] : memref<4096xi32, #tpu.memory_space<hbm>> -> memref<128xi32, #tpu.memory_space<hbm>>
    %dma_wait3A_55 = tpu.memref_slice %arg5[%mul3A_4] : memref<4096xi32, #tpu.memory_space<hbm>> -> memref<128xi32, #tpu.memory_space<hbm>>
    tpu.wait_dma2 semaphore(%arg19 : memref<!tpu.dma_semaphore, #tpu.memory_space<semaphore_mem>>) src(%dma_wait3A_55 : memref<128xi32, #tpu.memory_space<hbm>>) dst(%arg8 : memref<128xi32, #tpu.memory_space<vmem>>)
    %dma_start3A_56 = arith.constant 0 : i32
    %dma_start3A_57 = arith.constant 0 : i32
    %dma_start3A_58 = tpu.memref_slice %arg12[%dma_start3A_56, %dma_start3A_57] : memref<128x256xf32, #tpu.memory_space<vmem>> -> memref<64x256xf32, #tpu.memory_space<vmem>>
    %dma_start3A_59 = arith.constant 0 : i32
    %dma_start3A_60 = tpu.memref_slice %arg8[%dma_start3A_59] : memref<128xi32, #tpu.memory_space<vmem>> -> memref<64xi32, #tpu.memory_space<vmem>>
    %dma_start3A_61 = arith.constant 0 : i32
    %dma_start3A_62 = arith.constant 0 : i32
    %dma_start3A_63 = tpu.memref_slice %arg3[%dma_start3A_61, %dma_start3A_62] : memref<10000x256xf32, #tpu.memory_space<hbm>> -> memref<10000x256xf32, #tpu.memory_space<hbm>>
    tpu.enqueue_indirect_dma source(%dma_start3A_63 : memref<10000x256xf32, #tpu.memory_space<hbm>>) target(%dma_start3A_58 : memref<64x256xf32, #tpu.memory_space<vmem>>) offsets(%dma_start3A_60 : memref<64xi32, #tpu.memory_space<vmem>>) semaphore(%arg22 : memref<!tpu.dma_semaphore, #tpu.memory_space<semaphore_mem>>)
    %dma_start3A_64 = arith.constant 64 : i32
    %dma_start3A_65 = arith.constant 0 : i32
    %dma_start3A_66 = tpu.memref_slice %arg12[%dma_start3A_64, %dma_start3A_65] : memref<128x256xf32, #tpu.memory_space<vmem>> -> memref<64x256xf32, #tpu.memory_space<vmem>>
    %dma_start3A_67 = arith.constant 64 : i32
    %dma_start3A_68 = tpu.memref_slice %arg8[%dma_start3A_67] : memref<128xi32, #tpu.memory_space<vmem>> -> memref<64xi32, #tpu.memory_space<vmem>>
    %dma_start3A_69 = arith.constant 0 : i32
    %dma_start3A_70 = arith.constant 0 : i32
    %dma_start3A_71 = tpu.memref_slice %arg3[%dma_start3A_69, %dma_start3A_70] : memref<10000x256xf32, #tpu.memory_space<hbm>> -> memref<10000x256xf32, #tpu.memory_space<hbm>>
    tpu.enqueue_indirect_dma source(%dma_start3A_71 : memref<10000x256xf32, #tpu.memory_space<hbm>>) target(%dma_start3A_66 : memref<64x256xf32, #tpu.memory_space<vmem>>) offsets(%dma_start3A_68 : memref<64xi32, #tpu.memory_space<vmem>>) semaphore(%arg23 : memref<!tpu.dma_semaphore, #tpu.memory_space<semaphore_mem>>)
    %dma_start3A_72 = arith.constant 0 : i32
    %dma_start3A_73 = tpu.memref_slice %arg4[%dma_start3A_72] : memref<10000xf32, #tpu.memory_space<hbm>> -> memref<10000xf32, #tpu.memory_space<hbm>>
    tpu.enqueue_indirect_dma source(%dma_start3A_73 : memref<10000xf32, #tpu.memory_space<hbm>>) target(%arg10 : memref<128xf32, #tpu.memory_space<vmem>>) offsets(%arg8 : memref<128xi32, #tpu.memory_space<vmem>>) semaphore(%arg24 : memref<!tpu.dma_semaphore, #tpu.memory_space<semaphore_mem>>)
    %dma_wait3A_74 = arith.constant 0 : i32
    %dma_wait3A_75 = tpu.memref_slice %arg2[%min3A_50, %dma_wait3A_74] : memref<1000x256xf32, #tpu.memory_space<hbm>> -> memref<32x256xf32, #tpu.memory_space<hbm>>
    %dma_wait3A_76 = arith.constant 0 : i32
    %dma_wait3A_77 = tpu.memref_slice %arg2[%min3A_50, %dma_wait3A_76] : memref<1000x256xf32, #tpu.memory_space<hbm>> -> memref<32x256xf32, #tpu.memory_space<hbm>>
    tpu.wait_dma2 semaphore(%arg21 : memref<!tpu.dma_semaphore, #tpu.memory_space<semaphore_mem>>) src(%dma_wait3A_77 : memref<32x256xf32, #tpu.memory_space<hbm>>) dst(%arg11 : memref<32x256xf32, #tpu.memory_space<vmem>>)
    %dma_start3A_78 = arith.constant 0 : i32
    %dma_start3A_79 = tpu.memref_slice %arg6[%min3A_50, %dma_start3A_78] : memref<15096x256xf32, #tpu.memory_space<hbm>> -> memref<32x256xf32, #tpu.memory_space<hbm>>
    %dma_start3A_80 = arith.constant 0 : i32
    %dma_start3A_81 = tpu.memref_slice %arg6[%min3A_50, %dma_start3A_80] : memref<15096x256xf32, #tpu.memory_space<hbm>> -> memref<32x256xf32, #tpu.memory_space<hbm>>
    tpu.enqueue_dma source(%arg11 : memref<32x256xf32, #tpu.memory_space<vmem>>) target(%dma_start3A_81 : memref<32x256xf32, #tpu.memory_space<hbm>>) target_semaphore(%arg21 : memref<!tpu.dma_semaphore, #tpu.memory_space<semaphore_mem>>)
    tpu.wait_dma2 semaphore(%arg18 : memref<!tpu.dma_semaphore, #tpu.memory_space<semaphore_mem>>) src(%arg5 : memref<4096xi32, #tpu.memory_space<hbm>>) dst(%arg7 : memref<4096xi32, #tpu.memory_space<vmem>>)
    %scan3A = arith.constant 0 : i32
    %scan3A_82 = arith.constant 0 : i32
    %scan3A_83 = arith.constant 22 : i32
    %scan3A_84 = arith.addi %scan3A_82, %scan3A_83 : i32
    %scan3A_85 = arith.constant 1 : i32
    scf.for %scan3A_366 = %scan3A_82 to %scan3A_84 step %scan3A_85  : i32 {
      %broadcast_in_dim3A_367 = arith.constant 0 : i32
      %broadcast_in_dim3A_368 = vector.broadcast %broadcast_in_dim3A_367 : i32 to vector<16xi32>
      %mul3A_369 = arith.constant 16 : i32
      %mul3A_370 = arith.muli %scan3A_366, %mul3A_369 : i32
      %swap3A = arith.index_cast %mul3A_370 : i32 to index
      %swap3A_371 = tpu.vector_load %arg13[%swap3A] {strides = array<i32>} : memref<360xi32, #tpu.memory_space<vmem>>, vector<16xi32>,
      tpu.vector_store %arg13[%swap3A], %broadcast_in_dim3A_368 {strides = array<i32>} : memref<360xi32, #tpu.memory_space<vmem>>, vector<16xi32>,
    }
    %scan3A_86 = arith.constant 22 : i32
    %broadcast_in_dim3A = arith.constant 1 : i32
    %broadcast_in_dim3A_87 = vector.broadcast %broadcast_in_dim3A : i32 to vector<16xi32>
    %scan3A_88 = arith.constant 0 : i32
    %scan3A_89 = arith.constant 0 : i32
    %scan3A_90 = arith.constant 128 : i32
    %scan3A_91 = arith.addi %scan3A_89, %scan3A_90 : i32
    %scan3A_92 = arith.constant 1 : i32
    scf.for %scan3A_366 = %scan3A_89 to %scan3A_91 step %scan3A_92  : i32 {
      %mul3A_367 = arith.constant 2 : i32
      %mul3A_368 = arith.muli %mul3A_367, %scan3A_366 : i32
      %add3A_369 = arith.constant 0 : i32
      %add3A_370 = arith.addi %mul3A_368, %add3A_369 : i32
      %mul3A_371 = arith.constant 16 : i32
      %mul3A_372 = arith.muli %add3A_370, %mul3A_371 : i32
      %get3A = arith.index_cast %mul3A_372 : i32 to index
      %get3A_373 = tpu.vector_load %arg7[%get3A] {strides = array<i32>} : memref<4096xi32, #tpu.memory_space<vmem>>, vector<16xi32>,
      %ge3A = vector.broadcast %mul3A_2 : i32 to vector<16xi32>
      %ge3A_374 = arith.cmpi sge, %get3A_373, %ge3A : vector<16xi32>
      %add3A_375 = arith.constant 328 : i32
      %add3A_376 = arith.addi %mul3A_2, %add3A_375 : i32
      %lt3A = vector.broadcast %add3A_376 : i32 to vector<16xi32>
      %lt3A_377 = arith.cmpi slt, %get3A_373, %lt3A : vector<16xi32>
      %and3A = arith.andi %ge3A_374, %lt3A_377 : vector<16xi1>
      %sub3A = vector.broadcast %mul3A_2 : i32 to vector<16xi32>
      %sub3A_378 = arith.subi %get3A_373, %sub3A : vector<16xi32>
      %jit3A = arith.constant 0 : i32
      %broadcast_in_dim3A_379 = vector.broadcast %jit3A : i32 to vector<16xi32>
      %select_n3A = arith.select %and3A, %sub3A_378, %broadcast_in_dim3A_379 : vector<16xi1>, vector<16xi32>
      tpu.vector_store_idx %arg13[%select_n3A], %broadcast_in_dim3A_87 masked %and3A : memref<360xi32, #tpu.memory_space<vmem>>[vector<16xi32>], vector<16xi32>, vector<16xi1>
      %mul3A_380 = arith.constant 2 : i32
      %mul3A_381 = arith.muli %mul3A_380, %scan3A_366 : i32
      %add3A_382 = arith.constant 1 : i32
      %add3A_383 = arith.addi %mul3A_381, %add3A_382 : i32
      %mul3A_384 = arith.constant 16 : i32
      %mul3A_385 = arith.muli %add3A_383, %mul3A_384 : i32
      %get3A_386 = arith.index_cast %mul3A_385 : i32 to index
      %get3A_387 = tpu.vector_load %arg7[%get3A_386] {strides = array<i32>} : memref<4096xi32, #tpu.memory_space<vmem>>, vector<16xi32>,
      %ge3A_388 = vector.broadcast %mul3A_2 : i32 to vector<16xi32>
      %ge3A_389 = arith.cmpi sge, %get3A_387, %ge3A_388 : vector<16xi32>
      %add3A_390 = arith.constant 328 : i32
      %add3A_391 = arith.addi %mul3A_2, %add3A_390 : i32
      %lt3A_392 = vector.broadcast %add3A_391 : i32 to vector<16xi32>
      %lt3A_393 = arith.cmpi slt, %get3A_387, %lt3A_392 : vector<16xi32>
      %and3A_394 = arith.andi %ge3A_389, %lt3A_393 : vector<16xi1>
      %sub3A_395 = vector.broadcast %mul3A_2 : i32 to vector<16xi32>
      %sub3A_396 = arith.subi %get3A_387, %sub3A_395 : vector<16xi32>
      %jit3A_397 = arith.constant 0 : i32
      %broadcast_in_dim3A_398 = vector.broadcast %jit3A_397 : i32 to vector<16xi32>
      %select_n3A_399 = arith.select %and3A_394, %sub3A_396, %broadcast_in_dim3A_398 : vector<16xi1>, vector<16xi32>
      tpu.vector_store_idx %arg13[%select_n3A_399], %broadcast_in_dim3A_87 masked %and3A_394 : memref<360xi32, #tpu.memory_space<vmem>>[vector<16xi32>], vector<16xi32>, vector<16xi1>
    }
    %scan3A_93 = arith.constant 128 : i32
    %dma_wait3A_94 = arith.constant 0 : i32
    %dma_wait3A_95 = tpu.memref_slice %arg9[%dma_wait3A_94] : memref<360xf32, #tpu.memory_space<vmem>> -> memref<328xf32, #tpu.memory_space<vmem>>
    %dma_wait3A_96 = tpu.memref_slice %arg4[%mul3A_2] : memref<10000xf32, #tpu.memory_space<hbm>> -> memref<328xf32, #tpu.memory_space<hbm>>
    %dma_wait3A_97 = arith.constant 0 : i32
    %dma_wait3A_98 = tpu.memref_slice %arg9[%dma_wait3A_97] : memref<360xf32, #tpu.memory_space<vmem>> -> memref<328xf32, #tpu.memory_space<vmem>>
    %dma_wait3A_99 = tpu.memref_slice %arg4[%mul3A_2] : memref<10000xf32, #tpu.memory_space<hbm>> -> memref<328xf32, #tpu.memory_space<hbm>>
    tpu.wait_dma2 semaphore(%arg20 : memref<!tpu.dma_semaphore, #tpu.memory_space<semaphore_mem>>) src(%dma_wait3A_99 : memref<328xf32, #tpu.memory_space<hbm>>) dst(%dma_wait3A_98 : memref<328xf32, #tpu.memory_space<vmem>>)
    %scan3A_100 = arith.constant 0 : i32
    %scan3A_101 = arith.constant 0 : i32
    %scan3A_102 = arith.constant 21 : i32
    %scan3A_103 = arith.addi %scan3A_101, %scan3A_102 : i32
    %scan3A_104 = arith.constant 1 : i32
    scf.for %scan3A_366 = %scan3A_101 to %scan3A_103 step %scan3A_104  : i32 {
      %mul3A_367 = arith.constant 16 : i32
      %mul3A_368 = arith.muli %scan3A_366, %mul3A_367 : i32
      %get3A = arith.index_cast %mul3A_368 : i32 to index
      %get3A_369 = tpu.vector_load %arg13[%get3A] {strides = array<i32>} : memref<360xi32, #tpu.memory_space<vmem>>, vector<16xi32>,
      %mul3A_370 = arith.constant 16 : i32
      %mul3A_371 = arith.muli %scan3A_366, %mul3A_370 : i32
      %get3A_372 = arith.index_cast %mul3A_371 : i32 to index
      %get3A_373 = tpu.vector_load %arg9[%get3A_372] {strides = array<i32>} : memref<360xf32, #tpu.memory_space<vmem>>, vector<16xf32>,
      %gt3A = arith.constant 0 : i32
      %gt3A_374 = vector.broadcast %gt3A : i32 to vector<16xi32>
      %gt3A_375 = arith.cmpi sgt, %get3A_369, %gt3A_374 : vector<16xi32>
      %gt3A_376 = arith.constant 5.000000e+00 : f32
      %gt3A_377 = vector.broadcast %gt3A_376 : f32 to vector<16xf32>
      %gt3A_378 = arith.cmpf ogt, %get3A_373, %gt3A_377 : vector<16xf32>
      %and3A = arith.andi %gt3A_375, %gt3A_378 : vector<16xi1>
      %jit3A = arith.constant 1 : i32
      %jit3A_379 = arith.constant 0 : i32
      %broadcast_in_dim3A_380 = vector.broadcast %jit3A : i32 to vector<16xi32>
      %broadcast_in_dim3A_381 = vector.broadcast %jit3A_379 : i32 to vector<16xi32>
      %select_n3A = arith.select %and3A, %broadcast_in_dim3A_380, %broadcast_in_dim3A_381 : vector<16xi1>, vector<16xi32>
      %mul3A_382 = arith.constant 16 : i32
      %mul3A_383 = arith.muli %scan3A_366, %mul3A_382 : i32
      %swap3A = arith.index_cast %mul3A_383 : i32 to index
      %swap3A_384 = tpu.vector_load %arg13[%swap3A] {strides = array<i32>} : memref<360xi32, #tpu.memory_space<vmem>>, vector<16xi32>,
      tpu.vector_store %arg13[%swap3A], %select_n3A {strides = array<i32>} : memref<360xi32, #tpu.memory_space<vmem>>, vector<16xi32>,
    }
    %scan3A_105 = arith.constant 21 : i32
    %dma_wait3A_106 = arith.constant 0 : i32
    %dma_wait3A_107 = arith.constant 0 : i32
    %dma_wait3A_108 = tpu.memref_slice %arg15[%dma_wait3A_106, %dma_wait3A_107] : memref<88x256xf32, #tpu.memory_space<vmem>> -> memref<88x256xf32, #tpu.memory_space<vmem>>
    %dma_wait3A_109 = arith.constant 0 : i32
    %dma_wait3A_110 = tpu.memref_slice %arg3[%add3A_13, %dma_wait3A_109] : memref<10000x256xf32, #tpu.memory_space<hbm>> -> memref<88x256xf32, #tpu.memory_space<hbm>>
    %dma_wait3A_111 = arith.constant 0 : i32
    %dma_wait3A_112 = arith.constant 0 : i32
    %dma_wait3A_113 = tpu.memref_slice %arg15[%dma_wait3A_111, %dma_wait3A_112] : memref<88x256xf32, #tpu.memory_space<vmem>> -> memref<88x256xf32, #tpu.memory_space<vmem>>
    %dma_wait3A_114 = arith.constant 0 : i32
    %dma_wait3A_115 = tpu.memref_slice %arg3[%add3A_13, %dma_wait3A_114] : memref<10000x256xf32, #tpu.memory_space<hbm>> -> memref<88x256xf32, #tpu.memory_space<hbm>>
    tpu.wait_dma2 semaphore(%arg27 : memref<!tpu.dma_semaphore, #tpu.memory_space<semaphore_mem>>) src(%dma_wait3A_115 : memref<88x256xf32, #tpu.memory_space<hbm>>) dst(%dma_wait3A_113 : memref<88x256xf32, #tpu.memory_space<vmem>>)
    %scan3A_116 = arith.constant 0 : i32
    %scan3A_117 = arith.constant 0 : i32
    %scan3A_118 = arith.constant 88 : i32
    %scan3A_119 = arith.addi %scan3A_117, %scan3A_118 : i32
    %scan3A_120 = arith.constant 1 : i32
    scf.for %scan3A_366 = %scan3A_117 to %scan3A_119 step %scan3A_120  : i32 {
      %add3A_367 = arith.constant 0 : i32
      %add3A_368 = arith.addi %add3A_367, %scan3A_366 : i32
      %get3A = arith.index_cast %add3A_368 : i32 to index
      %get3A_369 = tpu.vector_load %arg13[%get3A] {strides = array<i32>} : memref<360xi32, #tpu.memory_space<vmem>>, vector<16xi32>,
      %slice3A = vector.extract_strided_slice %get3A_369 {offsets = [0], sizes = [1], strides = [1]} : vector<16xi32> to vector<1xi32>
      %squeeze3A = vector.extract %slice3A[0] : i32 from vector<1xi32>
      %gt3A = arith.constant 0 : i32
      %gt3A_370 = arith.cmpi sgt, %squeeze3A, %gt3A : i32
      %convert_element_type3A = arith.extui %gt3A_370 : i1 to i32
      %cond3A = arith.constant 0 : i32
      %cond3A_371 = arith.cmpi ne, %convert_element_type3A, %cond3A : i32
      scf.if %cond3A_371 {
        %broadcast_in_dim3A_372 = arith.constant 0.000000e+00 : f32
        %broadcast_in_dim3A_373 = vector.broadcast %broadcast_in_dim3A_372 : f32 to vector<16xf32>
        %swap3A = arith.index_cast %scan3A_366 : i32 to index
        %swap3A_374 = arith.constant 0 : index
        %swap3A_375 = tpu.vector_load %arg15[%swap3A, %swap3A_374] {strides = array<i32>} : memref<88x256xf32, #tpu.memory_space<vmem>>, vector<16xf32>,
        tpu.vector_store %arg15[%swap3A, %swap3A_374], %broadcast_in_dim3A_373 {strides = array<i32>} : memref<88x256xf32, #tpu.memory_space<vmem>>, vector<16xf32>,
        %swap3A_376 = arith.index_cast %scan3A_366 : i32 to index
        %swap3A_377 = arith.constant 16 : index
        %swap3A_378 = tpu.vector_load %arg15[%swap3A_376, %swap3A_377] {strides = array<i32>} : memref<88x256xf32, #tpu.memory_space<vmem>>, vector<16xf32>,
        tpu.vector_store %arg15[%swap3A_376, %swap3A_377], %broadcast_in_dim3A_373 {strides = array<i32>} : memref<88x256xf32, #tpu.memory_space<vmem>>, vector<16xf32>,
        %swap3A_379 = arith.index_cast %scan3A_366 : i32 to index
        %swap3A_380 = arith.constant 32 : index
        %swap3A_381 = tpu.vector_load %arg15[%swap3A_379, %swap3A_380] {strides = array<i32>} : memref<88x256xf32, #tpu.memory_space<vmem>>, vector<16xf32>,
        tpu.vector_store %arg15[%swap3A_379, %swap3A_380], %broadcast_in_dim3A_373 {strides = array<i32>} : memref<88x256xf32, #tpu.memory_space<vmem>>, vector<16xf32>,
        %swap3A_382 = arith.index_cast %scan3A_366 : i32 to index
        %swap3A_383 = arith.constant 48 : index
        %swap3A_384 = tpu.vector_load %arg15[%swap3A_382, %swap3A_383] {strides = array<i32>} : memref<88x256xf32, #tpu.memory_space<vmem>>, vector<16xf32>,
        tpu.vector_store %arg15[%swap3A_382, %swap3A_383], %broadcast_in_dim3A_373 {strides = array<i32>} : memref<88x256xf32, #tpu.memory_space<vmem>>, vector<16xf32>,
        %swap3A_385 = arith.index_cast %scan3A_366 : i32 to index
        %swap3A_386 = arith.constant 64 : index
        %swap3A_387 = tpu.vector_load %arg15[%swap3A_385, %swap3A_386] {strides = array<i32>} : memref<88x256xf32, #tpu.memory_space<vmem>>, vector<16xf32>,
        tpu.vector_store %arg15[%swap3A_385, %swap3A_386], %broadcast_in_dim3A_373 {strides = array<i32>} : memref<88x256xf32, #tpu.memory_space<vmem>>, vector<16xf32>,
        %swap3A_388 = arith.index_cast %scan3A_366 : i32 to index
        %swap3A_389 = arith.constant 80 : index
        %swap3A_390 = tpu.vector_load %arg15[%swap3A_388, %swap3A_389] {strides = array<i32>} : memref<88x256xf32, #tpu.memory_space<vmem>>, vector<16xf32>,
        tpu.vector_store %arg15[%swap3A_388, %swap3A_389], %broadcast_in_dim3A_373 {strides = array<i32>} : memref<88x256xf32, #tpu.memory_space<vmem>>, vector<16xf32>,
        %swap3A_391 = arith.index_cast %scan3A_366 : i32 to index
        %swap3A_392 = arith.constant 96 : index
        %swap3A_393 = tpu.vector_load %arg15[%swap3A_391, %swap3A_392] {strides = array<i32>} : memref<88x256xf32, #tpu.memory_space<vmem>>, vector<16xf32>,
        tpu.vector_store %arg15[%swap3A_391, %swap3A_392], %broadcast_in_dim3A_373 {strides = array<i32>} : memref<88x256xf32, #tpu.memory_space<vmem>>, vector<16xf32>,
        %swap3A_394 = arith.index_cast %scan3A_366 : i32 to index
        %swap3A_395 = arith.constant 112 : index
        %swap3A_396 = tpu.vector_load %arg15[%swap3A_394, %swap3A_395] {strides = array<i32>} : memref<88x256xf32, #tpu.memory_space<vmem>>, vector<16xf32>,
        tpu.vector_store %arg15[%swap3A_394, %swap3A_395], %broadcast_in_dim3A_373 {strides = array<i32>} : memref<88x256xf32, #tpu.memory_space<vmem>>, vector<16xf32>,
        %swap3A_397 = arith.index_cast %scan3A_366 : i32 to index
        %swap3A_398 = arith.constant 128 : index
        %swap3A_399 = tpu.vector_load %arg15[%swap3A_397, %swap3A_398] {strides = array<i32>} : memref<88x256xf32, #tpu.memory_space<vmem>>, vector<16xf32>,
        tpu.vector_store %arg15[%swap3A_397, %swap3A_398], %broadcast_in_dim3A_373 {strides = array<i32>} : memref<88x256xf32, #tpu.memory_space<vmem>>, vector<16xf32>,
        %swap3A_400 = arith.index_cast %scan3A_366 : i32 to index
        %swap3A_401 = arith.constant 144 : index
        %swap3A_402 = tpu.vector_load %arg15[%swap3A_400, %swap3A_401] {strides = array<i32>} : memref<88x256xf32, #tpu.memory_space<vmem>>, vector<16xf32>,
        tpu.vector_store %arg15[%swap3A_400, %swap3A_401], %broadcast_in_dim3A_373 {strides = array<i32>} : memref<88x256xf32, #tpu.memory_space<vmem>>, vector<16xf32>,
        %swap3A_403 = arith.index_cast %scan3A_366 : i32 to index
        %swap3A_404 = arith.constant 160 : index
        %swap3A_405 = tpu.vector_load %arg15[%swap3A_403, %swap3A_404] {strides = array<i32>} : memref<88x256xf32, #tpu.memory_space<vmem>>, vector<16xf32>,
        tpu.vector_store %arg15[%swap3A_403, %swap3A_404], %broadcast_in_dim3A_373 {strides = array<i32>} : memref<88x256xf32, #tpu.memory_space<vmem>>, vector<16xf32>,
        %swap3A_406 = arith.index_cast %scan3A_366 : i32 to index
        %swap3A_407 = arith.constant 176 : index
        %swap3A_408 = tpu.vector_load %arg15[%swap3A_406, %swap3A_407] {strides = array<i32>} : memref<88x256xf32, #tpu.memory_space<vmem>>, vector<16xf32>,
        tpu.vector_store %arg15[%swap3A_406, %swap3A_407], %broadcast_in_dim3A_373 {strides = array<i32>} : memref<88x256xf32, #tpu.memory_space<vmem>>, vector<16xf32>,
        %swap3A_409 = arith.index_cast %scan3A_366 : i32 to index
        %swap3A_410 = arith.constant 192 : index
        %swap3A_411 = tpu.vector_load %arg15[%swap3A_409, %swap3A_410] {strides = array<i32>} : memref<88x256xf32, #tpu.memory_space<vmem>>, vector<16xf32>,
        tpu.vector_store %arg15[%swap3A_409, %swap3A_410], %broadcast_in_dim3A_373 {strides = array<i32>} : memref<88x256xf32, #tpu.memory_space<vmem>>, vector<16xf32>,
        %swap3A_412 = arith.index_cast %scan3A_366 : i32 to index
        %swap3A_413 = arith.constant 208 : index
        %swap3A_414 = tpu.vector_load %arg15[%swap3A_412, %swap3A_413] {strides = array<i32>} : memref<88x256xf32, #tpu.memory_space<vmem>>, vector<16xf32>,
        tpu.vector_store %arg15[%swap3A_412, %swap3A_413], %broadcast_in_dim3A_373 {strides = array<i32>} : memref<88x256xf32, #tpu.memory_space<vmem>>, vector<16xf32>,
        %swap3A_415 = arith.index_cast %scan3A_366 : i32 to index
        %swap3A_416 = arith.constant 224 : index
        %swap3A_417 = tpu.vector_load %arg15[%swap3A_415, %swap3A_416] {strides = array<i32>} : memref<88x256xf32, #tpu.memory_space<vmem>>, vector<16xf32>,
        tpu.vector_store %arg15[%swap3A_415, %swap3A_416], %broadcast_in_dim3A_373 {strides = array<i32>} : memref<88x256xf32, #tpu.memory_space<vmem>>, vector<16xf32>,
        %swap3A_418 = arith.index_cast %scan3A_366 : i32 to index
        %swap3A_419 = arith.constant 240 : index
        %swap3A_420 = tpu.vector_load %arg15[%swap3A_418, %swap3A_419] {strides = array<i32>} : memref<88x256xf32, #tpu.memory_space<vmem>>, vector<16xf32>,
        tpu.vector_store %arg15[%swap3A_418, %swap3A_419], %broadcast_in_dim3A_373 {strides = array<i32>} : memref<88x256xf32, #tpu.memory_space<vmem>>, vector<16xf32>,
      } else {
      }
    }
    %scan3A_121 = arith.constant 88 : i32
    %add3A_122 = arith.constant 5096 : i32
    %add3A_123 = arith.addi %add3A_122, %mul3A_2 : i32
    %add3A_124 = arith.constant 0 : i32
    %add3A_125 = arith.addi %add3A_123, %add3A_124 : i32
    %dma_start3A_126 = arith.constant 0 : i32
    %dma_start3A_127 = arith.constant 0 : i32
    %dma_start3A_128 = tpu.memref_slice %arg15[%dma_start3A_126, %dma_start3A_127] : memref<88x256xf32, #tpu.memory_space<vmem>> -> memref<88x256xf32, #tpu.memory_space<vmem>>
    %dma_start3A_129 = arith.constant 0 : i32
    %dma_start3A_130 = tpu.memref_slice %arg6[%add3A_125, %dma_start3A_129] : memref<15096x256xf32, #tpu.memory_space<hbm>> -> memref<88x256xf32, #tpu.memory_space<hbm>>
    %dma_start3A_131 = arith.constant 0 : i32
    %dma_start3A_132 = tpu.memref_slice %arg6[%add3A_125, %dma_start3A_131] : memref<15096x256xf32, #tpu.memory_space<hbm>> -> memref<88x256xf32, #tpu.memory_space<hbm>>
    %dma_start3A_133 = arith.constant 0 : i32
    %dma_start3A_134 = arith.constant 0 : i32
    %dma_start3A_135 = tpu.memref_slice %arg15[%dma_start3A_133, %dma_start3A_134] : memref<88x256xf32, #tpu.memory_space<vmem>> -> memref<88x256xf32, #tpu.memory_space<vmem>>
    tpu.enqueue_dma source(%dma_start3A_135 : memref<88x256xf32, #tpu.memory_space<vmem>>) target(%dma_start3A_132 : memref<88x256xf32, #tpu.memory_space<hbm>>) target_semaphore(%arg30 : memref<!tpu.dma_semaphore, #tpu.memory_space<semaphore_mem>>)
    %dma_wait3A_136 = arith.constant 0 : i32
    %dma_wait3A_137 = arith.constant 0 : i32
    %dma_wait3A_138 = tpu.memref_slice %arg15[%dma_wait3A_136, %dma_wait3A_137] : memref<88x256xf32, #tpu.memory_space<vmem>> -> memref<88x256xf32, #tpu.memory_space<vmem>>
    %dma_wait3A_139 = arith.constant 0 : i32
    %dma_wait3A_140 = tpu.memref_slice %arg6[%add3A_125, %dma_wait3A_139] : memref<15096x256xf32, #tpu.memory_space<hbm>> -> memref<88x256xf32, #tpu.memory_space<hbm>>
    %dma_wait3A_141 = arith.constant 0 : i32
    %dma_wait3A_142 = tpu.memref_slice %arg6[%add3A_125, %dma_wait3A_141] : memref<15096x256xf32, #tpu.memory_space<hbm>> -> memref<88x256xf32, #tpu.memory_space<hbm>>
    %dma_wait3A_143 = arith.constant 0 : i32
    %dma_wait3A_144 = arith.constant 0 : i32
    %dma_wait3A_145 = tpu.memref_slice %arg15[%dma_wait3A_143, %dma_wait3A_144] : memref<88x256xf32, #tpu.memory_space<vmem>> -> memref<88x256xf32, #tpu.memory_space<vmem>>
    tpu.wait_dma2 semaphore(%arg30 : memref<!tpu.dma_semaphore, #tpu.memory_space<semaphore_mem>>) src(%dma_wait3A_145 : memref<88x256xf32, #tpu.memory_space<vmem>>) dst(%dma_wait3A_142 : memref<88x256xf32, #tpu.memory_space<hbm>>)
    %add3A_146 = arith.constant 248 : i32
    %add3A_147 = arith.addi %mul3A_2, %add3A_146 : i32
    %dma_start3A_148 = arith.constant 0 : i32
    %dma_start3A_149 = arith.constant 0 : i32
    %dma_start3A_150 = tpu.memref_slice %arg15[%dma_start3A_148, %dma_start3A_149] : memref<88x256xf32, #tpu.memory_space<vmem>> -> memref<80x256xf32, #tpu.memory_space<vmem>>
    %dma_start3A_151 = arith.constant 0 : i32
    %dma_start3A_152 = tpu.memref_slice %arg3[%add3A_147, %dma_start3A_151] : memref<10000x256xf32, #tpu.memory_space<hbm>> -> memref<80x256xf32, #tpu.memory_space<hbm>>
    %dma_start3A_153 = arith.constant 0 : i32
    %dma_start3A_154 = arith.constant 0 : i32
    %dma_start3A_155 = tpu.memref_slice %arg15[%dma_start3A_153, %dma_start3A_154] : memref<88x256xf32, #tpu.memory_space<vmem>> -> memref<80x256xf32, #tpu.memory_space<vmem>>
    %dma_start3A_156 = arith.constant 0 : i32
    %dma_start3A_157 = tpu.memref_slice %arg3[%add3A_147, %dma_start3A_156] : memref<10000x256xf32, #tpu.memory_space<hbm>> -> memref<80x256xf32, #tpu.memory_space<hbm>>
    tpu.enqueue_dma source(%dma_start3A_157 : memref<80x256xf32, #tpu.memory_space<hbm>>) target(%dma_start3A_155 : memref<80x256xf32, #tpu.memory_space<vmem>>) target_semaphore(%arg27 : memref<!tpu.dma_semaphore, #tpu.memory_space<semaphore_mem>>)
    %dma_wait3A_158 = arith.constant 0 : i32
    %dma_wait3A_159 = tpu.memref_slice %arg4[%dma_wait3A_158] : memref<10000xf32, #tpu.memory_space<hbm>> -> memref<10000xf32, #tpu.memory_space<hbm>>
    tpu.wait_indirect_dma semaphore(%arg24 : memref<!tpu.dma_semaphore, #tpu.memory_space<semaphore_mem>>) src(%dma_wait3A_159 : memref<10000xf32, #tpu.memory_space<hbm>>) dst(%arg10 : memref<128xf32, #tpu.memory_space<vmem>>)
    %scan3A_160 = arith.constant 0 : i32
    %scan3A_161 = arith.constant 0 : i32
    %scan3A_162 = arith.constant 8 : i32
    %scan3A_163 = arith.addi %scan3A_161, %scan3A_162 : i32
    %scan3A_164 = arith.constant 1 : i32
    scf.for %scan3A_366 = %scan3A_161 to %scan3A_163 step %scan3A_164  : i32 {
      %mul3A_367 = arith.constant 16 : i32
      %mul3A_368 = arith.muli %scan3A_366, %mul3A_367 : i32
      %get3A = arith.index_cast %mul3A_368 : i32 to index
      %get3A_369 = tpu.vector_load %arg10[%get3A] {strides = array<i32>} : memref<128xf32, #tpu.memory_space<vmem>>, vector<16xf32>,
      %gt3A = arith.constant 5.000000e+00 : f32
      %gt3A_370 = vector.broadcast %gt3A : f32 to vector<16xf32>
      %gt3A_371 = arith.cmpf ogt, %get3A_369, %gt3A_370 : vector<16xf32>
      %jit3A = arith.constant 0 : i32
      %jit3A_372 = arith.constant 1 : i32
      %broadcast_in_dim3A_373 = vector.broadcast %jit3A : i32 to vector<16xi32>
      %broadcast_in_dim3A_374 = vector.broadcast %jit3A_372 : i32 to vector<16xi32>
      %select_n3A = arith.select %gt3A_371, %broadcast_in_dim3A_373, %broadcast_in_dim3A_374 : vector<16xi1>, vector<16xi32>
      %mul3A_375 = arith.constant 16 : i32
      %mul3A_376 = arith.muli %scan3A_366, %mul3A_375 : i32
      %swap3A = arith.index_cast %mul3A_376 : i32 to index
      %swap3A_377 = tpu.vector_load %arg14[%swap3A] {strides = array<i32>} : memref<144xi32, #tpu.memory_space<vmem>>, vector<16xi32>,
      tpu.vector_store %arg14[%swap3A], %select_n3A {strides = array<i32>} : memref<144xi32, #tpu.memory_space<vmem>>, vector<16xi32>,
    }
    %scan3A_165 = arith.constant 8 : i32
    %dma_wait3A_166 = arith.constant 0 : i32
    %dma_wait3A_167 = arith.constant 0 : i32
    %dma_wait3A_168 = tpu.memref_slice %arg12[%dma_wait3A_166, %dma_wait3A_167] : memref<128x256xf32, #tpu.memory_space<vmem>> -> memref<64x256xf32, #tpu.memory_space<vmem>>
    %dma_wait3A_169 = arith.constant 0 : i32
    %dma_wait3A_170 = tpu.memref_slice %arg8[%dma_wait3A_169] : memref<128xi32, #tpu.memory_space<vmem>> -> memref<64xi32, #tpu.memory_space<vmem>>
    %dma_wait3A_171 = arith.constant 0 : i32
    %dma_wait3A_172 = arith.constant 0 : i32
    %dma_wait3A_173 = tpu.memref_slice %arg3[%dma_wait3A_171, %dma_wait3A_172] : memref<10000x256xf32, #tpu.memory_space<hbm>> -> memref<10000x256xf32, #tpu.memory_space<hbm>>
    tpu.wait_indirect_dma semaphore(%arg22 : memref<!tpu.dma_semaphore, #tpu.memory_space<semaphore_mem>>) src(%dma_wait3A_173 : memref<10000x256xf32, #tpu.memory_space<hbm>>) dst(%dma_wait3A_168 : memref<64x256xf32, #tpu.memory_space<vmem>>)
    %scan3A_174 = arith.constant 0 : i32
    %scan3A_175 = arith.constant 0 : i32
    %scan3A_176 = arith.constant 64 : i32
    %scan3A_177 = arith.addi %scan3A_175, %scan3A_176 : i32
    %scan3A_178 = arith.constant 1 : i32
    scf.for %scan3A_366 = %scan3A_175 to %scan3A_177 step %scan3A_178  : i32 {
      %add3A_367 = arith.constant 0 : i32
      %add3A_368 = arith.addi %add3A_367, %scan3A_366 : i32
      %get3A = arith.index_cast %add3A_368 : i32 to index
      %get3A_369 = tpu.vector_load %arg14[%get3A] {strides = array<i32>} : memref<144xi32, #tpu.memory_space<vmem>>, vector<16xi32>,
      %slice3A = vector.extract_strided_slice %get3A_369 {offsets = [0], sizes = [1], strides = [1]} : vector<16xi32> to vector<1xi32>
      %squeeze3A = vector.extract %slice3A[0] : i32 from vector<1xi32>
      %gt3A = arith.constant 0 : i32
      %gt3A_370 = arith.cmpi sgt, %squeeze3A, %gt3A : i32
      %convert_element_type3A = arith.extui %gt3A_370 : i1 to i32
      %cond3A = arith.constant 0 : i32
      %cond3A_371 = arith.cmpi ne, %convert_element_type3A, %cond3A : i32
      scf.if %cond3A_371 {
        %add3A_372 = arith.constant 0 : i32
        %add3A_373 = arith.addi %add3A_372, %scan3A_366 : i32
        %broadcast_in_dim3A_374 = arith.constant 0.000000e+00 : f32
        %broadcast_in_dim3A_375 = vector.broadcast %broadcast_in_dim3A_374 : f32 to vector<16xf32>
        %swap3A = arith.index_cast %add3A_373 : i32 to index
        %swap3A_376 = arith.constant 0 : index
        %swap3A_377 = tpu.vector_load %arg12[%swap3A, %swap3A_376] {strides = array<i32>} : memref<128x256xf32, #tpu.memory_space<vmem>>, vector<16xf32>,
        tpu.vector_store %arg12[%swap3A, %swap3A_376], %broadcast_in_dim3A_375 {strides = array<i32>} : memref<128x256xf32, #tpu.memory_space<vmem>>, vector<16xf32>,
        %swap3A_378 = arith.index_cast %add3A_373 : i32 to index
        %swap3A_379 = arith.constant 16 : index
        %swap3A_380 = tpu.vector_load %arg12[%swap3A_378, %swap3A_379] {strides = array<i32>} : memref<128x256xf32, #tpu.memory_space<vmem>>, vector<16xf32>,
        tpu.vector_store %arg12[%swap3A_378, %swap3A_379], %broadcast_in_dim3A_375 {strides = array<i32>} : memref<128x256xf32, #tpu.memory_space<vmem>>, vector<16xf32>,
        %swap3A_381 = arith.index_cast %add3A_373 : i32 to index
        %swap3A_382 = arith.constant 32 : index
        %swap3A_383 = tpu.vector_load %arg12[%swap3A_381, %swap3A_382] {strides = array<i32>} : memref<128x256xf32, #tpu.memory_space<vmem>>, vector<16xf32>,
        tpu.vector_store %arg12[%swap3A_381, %swap3A_382], %broadcast_in_dim3A_375 {strides = array<i32>} : memref<128x256xf32, #tpu.memory_space<vmem>>, vector<16xf32>,
        %swap3A_384 = arith.index_cast %add3A_373 : i32 to index
        %swap3A_385 = arith.constant 48 : index
        %swap3A_386 = tpu.vector_load %arg12[%swap3A_384, %swap3A_385] {strides = array<i32>} : memref<128x256xf32, #tpu.memory_space<vmem>>, vector<16xf32>,
        tpu.vector_store %arg12[%swap3A_384, %swap3A_385], %broadcast_in_dim3A_375 {strides = array<i32>} : memref<128x256xf32, #tpu.memory_space<vmem>>, vector<16xf32>,
        %swap3A_387 = arith.index_cast %add3A_373 : i32 to index
        %swap3A_388 = arith.constant 64 : index
        %swap3A_389 = tpu.vector_load %arg12[%swap3A_387, %swap3A_388] {strides = array<i32>} : memref<128x256xf32, #tpu.memory_space<vmem>>, vector<16xf32>,
        tpu.vector_store %arg12[%swap3A_387, %swap3A_388], %broadcast_in_dim3A_375 {strides = array<i32>} : memref<128x256xf32, #tpu.memory_space<vmem>>, vector<16xf32>,
        %swap3A_390 = arith.index_cast %add3A_373 : i32 to index
        %swap3A_391 = arith.constant 80 : index
        %swap3A_392 = tpu.vector_load %arg12[%swap3A_390, %swap3A_391] {strides = array<i32>} : memref<128x256xf32, #tpu.memory_space<vmem>>, vector<16xf32>,
        tpu.vector_store %arg12[%swap3A_390, %swap3A_391], %broadcast_in_dim3A_375 {strides = array<i32>} : memref<128x256xf32, #tpu.memory_space<vmem>>, vector<16xf32>,
        %swap3A_393 = arith.index_cast %add3A_373 : i32 to index
        %swap3A_394 = arith.constant 96 : index
        %swap3A_395 = tpu.vector_load %arg12[%swap3A_393, %swap3A_394] {strides = array<i32>} : memref<128x256xf32, #tpu.memory_space<vmem>>, vector<16xf32>,
        tpu.vector_store %arg12[%swap3A_393, %swap3A_394], %broadcast_in_dim3A_375 {strides = array<i32>} : memref<128x256xf32, #tpu.memory_space<vmem>>, vector<16xf32>,
        %swap3A_396 = arith.index_cast %add3A_373 : i32 to index
        %swap3A_397 = arith.constant 112 : index
        %swap3A_398 = tpu.vector_load %arg12[%swap3A_396, %swap3A_397] {strides = array<i32>} : memref<128x256xf32, #tpu.memory_space<vmem>>, vector<16xf32>,
        tpu.vector_store %arg12[%swap3A_396, %swap3A_397], %broadcast_in_dim3A_375 {strides = array<i32>} : memref<128x256xf32, #tpu.memory_space<vmem>>, vector<16xf32>,
        %swap3A_399 = arith.index_cast %add3A_373 : i32 to index
        %swap3A_400 = arith.constant 128 : index
        %swap3A_401 = tpu.vector_load %arg12[%swap3A_399, %swap3A_400] {strides = array<i32>} : memref<128x256xf32, #tpu.memory_space<vmem>>, vector<16xf32>,
        tpu.vector_store %arg12[%swap3A_399, %swap3A_400], %broadcast_in_dim3A_375 {strides = array<i32>} : memref<128x256xf32, #tpu.memory_space<vmem>>, vector<16xf32>,
        %swap3A_402 = arith.index_cast %add3A_373 : i32 to index
        %swap3A_403 = arith.constant 144 : index
        %swap3A_404 = tpu.vector_load %arg12[%swap3A_402, %swap3A_403] {strides = array<i32>} : memref<128x256xf32, #tpu.memory_space<vmem>>, vector<16xf32>,
        tpu.vector_store %arg12[%swap3A_402, %swap3A_403], %broadcast_in_dim3A_375 {strides = array<i32>} : memref<128x256xf32, #tpu.memory_space<vmem>>, vector<16xf32>,
        %swap3A_405 = arith.index_cast %add3A_373 : i32 to index
        %swap3A_406 = arith.constant 160 : index
        %swap3A_407 = tpu.vector_load %arg12[%swap3A_405, %swap3A_406] {strides = array<i32>} : memref<128x256xf32, #tpu.memory_space<vmem>>, vector<16xf32>,
        tpu.vector_store %arg12[%swap3A_405, %swap3A_406], %broadcast_in_dim3A_375 {strides = array<i32>} : memref<128x256xf32, #tpu.memory_space<vmem>>, vector<16xf32>,
        %swap3A_408 = arith.index_cast %add3A_373 : i32 to index
        %swap3A_409 = arith.constant 176 : index
        %swap3A_410 = tpu.vector_load %arg12[%swap3A_408, %swap3A_409] {strides = array<i32>} : memref<128x256xf32, #tpu.memory_space<vmem>>, vector<16xf32>,
        tpu.vector_store %arg12[%swap3A_408, %swap3A_409], %broadcast_in_dim3A_375 {strides = array<i32>} : memref<128x256xf32, #tpu.memory_space<vmem>>, vector<16xf32>,
        %swap3A_411 = arith.index_cast %add3A_373 : i32 to index
        %swap3A_412 = arith.constant 192 : index
        %swap3A_413 = tpu.vector_load %arg12[%swap3A_411, %swap3A_412] {strides = array<i32>} : memref<128x256xf32, #tpu.memory_space<vmem>>, vector<16xf32>,
        tpu.vector_store %arg12[%swap3A_411, %swap3A_412], %broadcast_in_dim3A_375 {strides = array<i32>} : memref<128x256xf32, #tpu.memory_space<vmem>>, vector<16xf32>,
        %swap3A_414 = arith.index_cast %add3A_373 : i32 to index
        %swap3A_415 = arith.constant 208 : index
        %swap3A_416 = tpu.vector_load %arg12[%swap3A_414, %swap3A_415] {strides = array<i32>} : memref<128x256xf32, #tpu.memory_space<vmem>>, vector<16xf32>,
        tpu.vector_store %arg12[%swap3A_414, %swap3A_415], %broadcast_in_dim3A_375 {strides = array<i32>} : memref<128x256xf32, #tpu.memory_space<vmem>>, vector<16xf32>,
        %swap3A_417 = arith.index_cast %add3A_373 : i32 to index
        %swap3A_418 = arith.constant 224 : index
        %swap3A_419 = tpu.vector_load %arg12[%swap3A_417, %swap3A_418] {strides = array<i32>} : memref<128x256xf32, #tpu.memory_space<vmem>>, vector<16xf32>,
        tpu.vector_store %arg12[%swap3A_417, %swap3A_418], %broadcast_in_dim3A_375 {strides = array<i32>} : memref<128x256xf32, #tpu.memory_space<vmem>>, vector<16xf32>,
        %swap3A_420 = arith.index_cast %add3A_373 : i32 to index
        %swap3A_421 = arith.constant 240 : index
        %swap3A_422 = tpu.vector_load %arg12[%swap3A_420, %swap3A_421] {strides = array<i32>} : memref<128x256xf32, #tpu.memory_space<vmem>>, vector<16xf32>,
        tpu.vector_store %arg12[%swap3A_420, %swap3A_421], %broadcast_in_dim3A_375 {strides = array<i32>} : memref<128x256xf32, #tpu.memory_space<vmem>>, vector<16xf32>,
      } else {
      }
    }
    %scan3A_179 = arith.constant 64 : i32
    %add3A_180 = arith.constant 1000 : i32
    %add3A_181 = arith.addi %add3A_180, %mul3A_4 : i32
    %add3A_182 = arith.constant 0 : i32
    %add3A_183 = arith.addi %add3A_181, %add3A_182 : i32
    %dma_start3A_184 = arith.constant 0 : i32
    %dma_start3A_185 = arith.constant 0 : i32
    %dma_start3A_186 = tpu.memref_slice %arg12[%dma_start3A_184, %dma_start3A_185] : memref<128x256xf32, #tpu.memory_space<vmem>> -> memref<64x256xf32, #tpu.memory_space<vmem>>
    %dma_start3A_187 = arith.constant 0 : i32
    %dma_start3A_188 = tpu.memref_slice %arg6[%add3A_183, %dma_start3A_187] : memref<15096x256xf32, #tpu.memory_space<hbm>> -> memref<64x256xf32, #tpu.memory_space<hbm>>
    %dma_start3A_189 = arith.constant 0 : i32
    %dma_start3A_190 = tpu.memref_slice %arg6[%add3A_183, %dma_start3A_189] : memref<15096x256xf32, #tpu.memory_space<hbm>> -> memref<64x256xf32, #tpu.memory_space<hbm>>
    %dma_start3A_191 = arith.constant 0 : i32
    %dma_start3A_192 = arith.constant 0 : i32
    %dma_start3A_193 = tpu.memref_slice %arg12[%dma_start3A_191, %dma_start3A_192] : memref<128x256xf32, #tpu.memory_space<vmem>> -> memref<64x256xf32, #tpu.memory_space<vmem>>
    tpu.enqueue_dma source(%dma_start3A_193 : memref<64x256xf32, #tpu.memory_space<vmem>>) target(%dma_start3A_190 : memref<64x256xf32, #tpu.memory_space<hbm>>) target_semaphore(%arg25 : memref<!tpu.dma_semaphore, #tpu.memory_space<semaphore_mem>>)
    %dma_wait3A_194 = arith.constant 0 : i32
    %dma_wait3A_195 = arith.constant 0 : i32
    %dma_wait3A_196 = tpu.memref_slice %arg16[%dma_wait3A_194, %dma_wait3A_195] : memref<88x256xf32, #tpu.memory_space<vmem>> -> memref<80x256xf32, #tpu.memory_space<vmem>>
    %dma_wait3A_197 = arith.constant 0 : i32
    %dma_wait3A_198 = tpu.memref_slice %arg3[%add3A_25, %dma_wait3A_197] : memref<10000x256xf32, #tpu.memory_space<hbm>> -> memref<80x256xf32, #tpu.memory_space<hbm>>
    %dma_wait3A_199 = arith.constant 0 : i32
    %dma_wait3A_200 = arith.constant 0 : i32
    %dma_wait3A_201 = tpu.memref_slice %arg16[%dma_wait3A_199, %dma_wait3A_200] : memref<88x256xf32, #tpu.memory_space<vmem>> -> memref<80x256xf32, #tpu.memory_space<vmem>>
    %dma_wait3A_202 = arith.constant 0 : i32
    %dma_wait3A_203 = tpu.memref_slice %arg3[%add3A_25, %dma_wait3A_202] : memref<10000x256xf32, #tpu.memory_space<hbm>> -> memref<80x256xf32, #tpu.memory_space<hbm>>
    tpu.wait_dma2 semaphore(%arg28 : memref<!tpu.dma_semaphore, #tpu.memory_space<semaphore_mem>>) src(%dma_wait3A_203 : memref<80x256xf32, #tpu.memory_space<hbm>>) dst(%dma_wait3A_201 : memref<80x256xf32, #tpu.memory_space<vmem>>)
    %scan3A_204 = arith.constant 0 : i32
    %scan3A_205 = arith.constant 0 : i32
    %scan3A_206 = arith.constant 80 : i32
    %scan3A_207 = arith.addi %scan3A_205, %scan3A_206 : i32
    %scan3A_208 = arith.constant 1 : i32
    scf.for %scan3A_366 = %scan3A_205 to %scan3A_207 step %scan3A_208  : i32 {
      %add3A_367 = arith.constant 88 : i32
      %add3A_368 = arith.addi %add3A_367, %scan3A_366 : i32
      %get3A = arith.index_cast %add3A_368 : i32 to index
      %get3A_369 = tpu.vector_load %arg13[%get3A] {strides = array<i32>} : memref<360xi32, #tpu.memory_space<vmem>>, vector<16xi32>,
      %slice3A = vector.extract_strided_slice %get3A_369 {offsets = [0], sizes = [1], strides = [1]} : vector<16xi32> to vector<1xi32>
      %squeeze3A = vector.extract %slice3A[0] : i32 from vector<1xi32>
      %gt3A = arith.constant 0 : i32
      %gt3A_370 = arith.cmpi sgt, %squeeze3A, %gt3A : i32
      %convert_element_type3A = arith.extui %gt3A_370 : i1 to i32
      %cond3A = arith.constant 0 : i32
      %cond3A_371 = arith.cmpi ne, %convert_element_type3A, %cond3A : i32
      scf.if %cond3A_371 {
        %broadcast_in_dim3A_372 = arith.constant 0.000000e+00 : f32
        %broadcast_in_dim3A_373 = vector.broadcast %broadcast_in_dim3A_372 : f32 to vector<16xf32>
        %swap3A = arith.index_cast %scan3A_366 : i32 to index
        %swap3A_374 = arith.constant 0 : index
        %swap3A_375 = tpu.vector_load %arg16[%swap3A, %swap3A_374] {strides = array<i32>} : memref<88x256xf32, #tpu.memory_space<vmem>>, vector<16xf32>,
        tpu.vector_store %arg16[%swap3A, %swap3A_374], %broadcast_in_dim3A_373 {strides = array<i32>} : memref<88x256xf32, #tpu.memory_space<vmem>>, vector<16xf32>,
        %swap3A_376 = arith.index_cast %scan3A_366 : i32 to index
        %swap3A_377 = arith.constant 16 : index
        %swap3A_378 = tpu.vector_load %arg16[%swap3A_376, %swap3A_377] {strides = array<i32>} : memref<88x256xf32, #tpu.memory_space<vmem>>, vector<16xf32>,
        tpu.vector_store %arg16[%swap3A_376, %swap3A_377], %broadcast_in_dim3A_373 {strides = array<i32>} : memref<88x256xf32, #tpu.memory_space<vmem>>, vector<16xf32>,
        %swap3A_379 = arith.index_cast %scan3A_366 : i32 to index
        %swap3A_380 = arith.constant 32 : index
        %swap3A_381 = tpu.vector_load %arg16[%swap3A_379, %swap3A_380] {strides = array<i32>} : memref<88x256xf32, #tpu.memory_space<vmem>>, vector<16xf32>,
        tpu.vector_store %arg16[%swap3A_379, %swap3A_380], %broadcast_in_dim3A_373 {strides = array<i32>} : memref<88x256xf32, #tpu.memory_space<vmem>>, vector<16xf32>,
        %swap3A_382 = arith.index_cast %scan3A_366 : i32 to index
        %swap3A_383 = arith.constant 48 : index
        %swap3A_384 = tpu.vector_load %arg16[%swap3A_382, %swap3A_383] {strides = array<i32>} : memref<88x256xf32, #tpu.memory_space<vmem>>, vector<16xf32>,
        tpu.vector_store %arg16[%swap3A_382, %swap3A_383], %broadcast_in_dim3A_373 {strides = array<i32>} : memref<88x256xf32, #tpu.memory_space<vmem>>, vector<16xf32>,
        %swap3A_385 = arith.index_cast %scan3A_366 : i32 to index
        %swap3A_386 = arith.constant 64 : index
        %swap3A_387 = tpu.vector_load %arg16[%swap3A_385, %swap3A_386] {strides = array<i32>} : memref<88x256xf32, #tpu.memory_space<vmem>>, vector<16xf32>,
        tpu.vector_store %arg16[%swap3A_385, %swap3A_386], %broadcast_in_dim3A_373 {strides = array<i32>} : memref<88x256xf32, #tpu.memory_space<vmem>>, vector<16xf32>,
        %swap3A_388 = arith.index_cast %scan3A_366 : i32 to index
        %swap3A_389 = arith.constant 80 : index
        %swap3A_390 = tpu.vector_load %arg16[%swap3A_388, %swap3A_389] {strides = array<i32>} : memref<88x256xf32, #tpu.memory_space<vmem>>, vector<16xf32>,
        tpu.vector_store %arg16[%swap3A_388, %swap3A_389], %broadcast_in_dim3A_373 {strides = array<i32>} : memref<88x256xf32, #tpu.memory_space<vmem>>, vector<16xf32>,
        %swap3A_391 = arith.index_cast %scan3A_366 : i32 to index
        %swap3A_392 = arith.constant 96 : index
        %swap3A_393 = tpu.vector_load %arg16[%swap3A_391, %swap3A_392] {strides = array<i32>} : memref<88x256xf32, #tpu.memory_space<vmem>>, vector<16xf32>,
        tpu.vector_store %arg16[%swap3A_391, %swap3A_392], %broadcast_in_dim3A_373 {strides = array<i32>} : memref<88x256xf32, #tpu.memory_space<vmem>>, vector<16xf32>,
        %swap3A_394 = arith.index_cast %scan3A_366 : i32 to index
        %swap3A_395 = arith.constant 112 : index
        %swap3A_396 = tpu.vector_load %arg16[%swap3A_394, %swap3A_395] {strides = array<i32>} : memref<88x256xf32, #tpu.memory_space<vmem>>, vector<16xf32>,
        tpu.vector_store %arg16[%swap3A_394, %swap3A_395], %broadcast_in_dim3A_373 {strides = array<i32>} : memref<88x256xf32, #tpu.memory_space<vmem>>, vector<16xf32>,
        %swap3A_397 = arith.index_cast %scan3A_366 : i32 to index
        %swap3A_398 = arith.constant 128 : index
        %swap3A_399 = tpu.vector_load %arg16[%swap3A_397, %swap3A_398] {strides = array<i32>} : memref<88x256xf32, #tpu.memory_space<vmem>>, vector<16xf32>,
        tpu.vector_store %arg16[%swap3A_397, %swap3A_398], %broadcast_in_dim3A_373 {strides = array<i32>} : memref<88x256xf32, #tpu.memory_space<vmem>>, vector<16xf32>,
        %swap3A_400 = arith.index_cast %scan3A_366 : i32 to index
        %swap3A_401 = arith.constant 144 : index
        %swap3A_402 = tpu.vector_load %arg16[%swap3A_400, %swap3A_401] {strides = array<i32>} : memref<88x256xf32, #tpu.memory_space<vmem>>, vector<16xf32>,
        tpu.vector_store %arg16[%swap3A_400, %swap3A_401], %broadcast_in_dim3A_373 {strides = array<i32>} : memref<88x256xf32, #tpu.memory_space<vmem>>, vector<16xf32>,
        %swap3A_403 = arith.index_cast %scan3A_366 : i32 to index
        %swap3A_404 = arith.constant 160 : index
        %swap3A_405 = tpu.vector_load %arg16[%swap3A_403, %swap3A_404] {strides = array<i32>} : memref<88x256xf32, #tpu.memory_space<vmem>>, vector<16xf32>,
        tpu.vector_store %arg16[%swap3A_403, %swap3A_404], %broadcast_in_dim3A_373 {strides = array<i32>} : memref<88x256xf32, #tpu.memory_space<vmem>>, vector<16xf32>,
        %swap3A_406 = arith.index_cast %scan3A_366 : i32 to index
        %swap3A_407 = arith.constant 176 : index
        %swap3A_408 = tpu.vector_load %arg16[%swap3A_406, %swap3A_407] {strides = array<i32>} : memref<88x256xf32, #tpu.memory_space<vmem>>, vector<16xf32>,
        tpu.vector_store %arg16[%swap3A_406, %swap3A_407], %broadcast_in_dim3A_373 {strides = array<i32>} : memref<88x256xf32, #tpu.memory_space<vmem>>, vector<16xf32>,
        %swap3A_409 = arith.index_cast %scan3A_366 : i32 to index
        %swap3A_410 = arith.constant 192 : index
        %swap3A_411 = tpu.vector_load %arg16[%swap3A_409, %swap3A_410] {strides = array<i32>} : memref<88x256xf32, #tpu.memory_space<vmem>>, vector<16xf32>,
        tpu.vector_store %arg16[%swap3A_409, %swap3A_410], %broadcast_in_dim3A_373 {strides = array<i32>} : memref<88x256xf32, #tpu.memory_space<vmem>>, vector<16xf32>,
        %swap3A_412 = arith.index_cast %scan3A_366 : i32 to index
        %swap3A_413 = arith.constant 208 : index
        %swap3A_414 = tpu.vector_load %arg16[%swap3A_412, %swap3A_413] {strides = array<i32>} : memref<88x256xf32, #tpu.memory_space<vmem>>, vector<16xf32>,
        tpu.vector_store %arg16[%swap3A_412, %swap3A_413], %broadcast_in_dim3A_373 {strides = array<i32>} : memref<88x256xf32, #tpu.memory_space<vmem>>, vector<16xf32>,
        %swap3A_415 = arith.index_cast %scan3A_366 : i32 to index
        %swap3A_416 = arith.constant 224 : index
        %swap3A_417 = tpu.vector_load %arg16[%swap3A_415, %swap3A_416] {strides = array<i32>} : memref<88x256xf32, #tpu.memory_space<vmem>>, vector<16xf32>,
        tpu.vector_store %arg16[%swap3A_415, %swap3A_416], %broadcast_in_dim3A_373 {strides = array<i32>} : memref<88x256xf32, #tpu.memory_space<vmem>>, vector<16xf32>,
        %swap3A_418 = arith.index_cast %scan3A_366 : i32 to index
        %swap3A_419 = arith.constant 240 : index
        %swap3A_420 = tpu.vector_load %arg16[%swap3A_418, %swap3A_419] {strides = array<i32>} : memref<88x256xf32, #tpu.memory_space<vmem>>, vector<16xf32>,
        tpu.vector_store %arg16[%swap3A_418, %swap3A_419], %broadcast_in_dim3A_373 {strides = array<i32>} : memref<88x256xf32, #tpu.memory_space<vmem>>, vector<16xf32>,
      } else {
      }
    }
    %scan3A_209 = arith.constant 80 : i32
    %add3A_210 = arith.constant 5096 : i32
    %add3A_211 = arith.addi %add3A_210, %mul3A_2 : i32
    %add3A_212 = arith.constant 88 : i32
    %add3A_213 = arith.addi %add3A_211, %add3A_212 : i32
    %dma_start3A_214 = arith.constant 0 : i32
    %dma_start3A_215 = arith.constant 0 : i32
    %dma_start3A_216 = tpu.memref_slice %arg16[%dma_start3A_214, %dma_start3A_215] : memref<88x256xf32, #tpu.memory_space<vmem>> -> memref<80x256xf32, #tpu.memory_space<vmem>>
    %dma_start3A_217 = arith.constant 0 : i32
    %dma_start3A_218 = tpu.memref_slice %arg6[%add3A_213, %dma_start3A_217] : memref<15096x256xf32, #tpu.memory_space<hbm>> -> memref<80x256xf32, #tpu.memory_space<hbm>>
    %dma_start3A_219 = arith.constant 0 : i32
    %dma_start3A_220 = tpu.memref_slice %arg6[%add3A_213, %dma_start3A_219] : memref<15096x256xf32, #tpu.memory_space<hbm>> -> memref<80x256xf32, #tpu.memory_space<hbm>>
    %dma_start3A_221 = arith.constant 0 : i32
    %dma_start3A_222 = arith.constant 0 : i32
    %dma_start3A_223 = tpu.memref_slice %arg16[%dma_start3A_221, %dma_start3A_222] : memref<88x256xf32, #tpu.memory_space<vmem>> -> memref<80x256xf32, #tpu.memory_space<vmem>>
    tpu.enqueue_dma source(%dma_start3A_223 : memref<80x256xf32, #tpu.memory_space<vmem>>) target(%dma_start3A_220 : memref<80x256xf32, #tpu.memory_space<hbm>>) target_semaphore(%arg31 : memref<!tpu.dma_semaphore, #tpu.memory_space<semaphore_mem>>)
    %dma_wait3A_224 = arith.constant 64 : i32
    %dma_wait3A_225 = arith.constant 0 : i32
    %dma_wait3A_226 = tpu.memref_slice %arg12[%dma_wait3A_224, %dma_wait3A_225] : memref<128x256xf32, #tpu.memory_space<vmem>> -> memref<64x256xf32, #tpu.memory_space<vmem>>
    %dma_wait3A_227 = arith.constant 64 : i32
    %dma_wait3A_228 = tpu.memref_slice %arg8[%dma_wait3A_227] : memref<128xi32, #tpu.memory_space<vmem>> -> memref<64xi32, #tpu.memory_space<vmem>>
    %dma_wait3A_229 = arith.constant 0 : i32
    %dma_wait3A_230 = arith.constant 0 : i32
    %dma_wait3A_231 = tpu.memref_slice %arg3[%dma_wait3A_229, %dma_wait3A_230] : memref<10000x256xf32, #tpu.memory_space<hbm>> -> memref<10000x256xf32, #tpu.memory_space<hbm>>
    tpu.wait_indirect_dma semaphore(%arg23 : memref<!tpu.dma_semaphore, #tpu.memory_space<semaphore_mem>>) src(%dma_wait3A_231 : memref<10000x256xf32, #tpu.memory_space<hbm>>) dst(%dma_wait3A_226 : memref<64x256xf32, #tpu.memory_space<vmem>>)
    %scan3A_232 = arith.constant 0 : i32
    %scan3A_233 = arith.constant 0 : i32
    %scan3A_234 = arith.constant 64 : i32
    %scan3A_235 = arith.addi %scan3A_233, %scan3A_234 : i32
    %scan3A_236 = arith.constant 1 : i32
    scf.for %scan3A_366 = %scan3A_233 to %scan3A_235 step %scan3A_236  : i32 {
      %add3A_367 = arith.constant 64 : i32
      %add3A_368 = arith.addi %add3A_367, %scan3A_366 : i32
      %get3A = arith.index_cast %add3A_368 : i32 to index
      %get3A_369 = tpu.vector_load %arg14[%get3A] {strides = array<i32>} : memref<144xi32, #tpu.memory_space<vmem>>, vector<16xi32>,
      %slice3A = vector.extract_strided_slice %get3A_369 {offsets = [0], sizes = [1], strides = [1]} : vector<16xi32> to vector<1xi32>
      %squeeze3A = vector.extract %slice3A[0] : i32 from vector<1xi32>
      %gt3A = arith.constant 0 : i32
      %gt3A_370 = arith.cmpi sgt, %squeeze3A, %gt3A : i32
      %convert_element_type3A = arith.extui %gt3A_370 : i1 to i32
      %cond3A = arith.constant 0 : i32
      %cond3A_371 = arith.cmpi ne, %convert_element_type3A, %cond3A : i32
      scf.if %cond3A_371 {
        %add3A_372 = arith.constant 64 : i32
        %add3A_373 = arith.addi %add3A_372, %scan3A_366 : i32
        %broadcast_in_dim3A_374 = arith.constant 0.000000e+00 : f32
        %broadcast_in_dim3A_375 = vector.broadcast %broadcast_in_dim3A_374 : f32 to vector<16xf32>
        %swap3A = arith.index_cast %add3A_373 : i32 to index
        %swap3A_376 = arith.constant 0 : index
        %swap3A_377 = tpu.vector_load %arg12[%swap3A, %swap3A_376] {strides = array<i32>} : memref<128x256xf32, #tpu.memory_space<vmem>>, vector<16xf32>,
        tpu.vector_store %arg12[%swap3A, %swap3A_376], %broadcast_in_dim3A_375 {strides = array<i32>} : memref<128x256xf32, #tpu.memory_space<vmem>>, vector<16xf32>,
        %swap3A_378 = arith.index_cast %add3A_373 : i32 to index
        %swap3A_379 = arith.constant 16 : index
        %swap3A_380 = tpu.vector_load %arg12[%swap3A_378, %swap3A_379] {strides = array<i32>} : memref<128x256xf32, #tpu.memory_space<vmem>>, vector<16xf32>,
        tpu.vector_store %arg12[%swap3A_378, %swap3A_379], %broadcast_in_dim3A_375 {strides = array<i32>} : memref<128x256xf32, #tpu.memory_space<vmem>>, vector<16xf32>,
        %swap3A_381 = arith.index_cast %add3A_373 : i32 to index
        %swap3A_382 = arith.constant 32 : index
        %swap3A_383 = tpu.vector_load %arg12[%swap3A_381, %swap3A_382] {strides = array<i32>} : memref<128x256xf32, #tpu.memory_space<vmem>>, vector<16xf32>,
        tpu.vector_store %arg12[%swap3A_381, %swap3A_382], %broadcast_in_dim3A_375 {strides = array<i32>} : memref<128x256xf32, #tpu.memory_space<vmem>>, vector<16xf32>,
        %swap3A_384 = arith.index_cast %add3A_373 : i32 to index
        %swap3A_385 = arith.constant 48 : index
        %swap3A_386 = tpu.vector_load %arg12[%swap3A_384, %swap3A_385] {strides = array<i32>} : memref<128x256xf32, #tpu.memory_space<vmem>>, vector<16xf32>,
        tpu.vector_store %arg12[%swap3A_384, %swap3A_385], %broadcast_in_dim3A_375 {strides = array<i32>} : memref<128x256xf32, #tpu.memory_space<vmem>>, vector<16xf32>,
        %swap3A_387 = arith.index_cast %add3A_373 : i32 to index
        %swap3A_388 = arith.constant 64 : index
        %swap3A_389 = tpu.vector_load %arg12[%swap3A_387, %swap3A_388] {strides = array<i32>} : memref<128x256xf32, #tpu.memory_space<vmem>>, vector<16xf32>,
        tpu.vector_store %arg12[%swap3A_387, %swap3A_388], %broadcast_in_dim3A_375 {strides = array<i32>} : memref<128x256xf32, #tpu.memory_space<vmem>>, vector<16xf32>,
        %swap3A_390 = arith.index_cast %add3A_373 : i32 to index
        %swap3A_391 = arith.constant 80 : index
        %swap3A_392 = tpu.vector_load %arg12[%swap3A_390, %swap3A_391] {strides = array<i32>} : memref<128x256xf32, #tpu.memory_space<vmem>>, vector<16xf32>,
        tpu.vector_store %arg12[%swap3A_390, %swap3A_391], %broadcast_in_dim3A_375 {strides = array<i32>} : memref<128x256xf32, #tpu.memory_space<vmem>>, vector<16xf32>,
        %swap3A_393 = arith.index_cast %add3A_373 : i32 to index
        %swap3A_394 = arith.constant 96 : index
        %swap3A_395 = tpu.vector_load %arg12[%swap3A_393, %swap3A_394] {strides = array<i32>} : memref<128x256xf32, #tpu.memory_space<vmem>>, vector<16xf32>,
        tpu.vector_store %arg12[%swap3A_393, %swap3A_394], %broadcast_in_dim3A_375 {strides = array<i32>} : memref<128x256xf32, #tpu.memory_space<vmem>>, vector<16xf32>,
        %swap3A_396 = arith.index_cast %add3A_373 : i32 to index
        %swap3A_397 = arith.constant 112 : index
        %swap3A_398 = tpu.vector_load %arg12[%swap3A_396, %swap3A_397] {strides = array<i32>} : memref<128x256xf32, #tpu.memory_space<vmem>>, vector<16xf32>,
        tpu.vector_store %arg12[%swap3A_396, %swap3A_397], %broadcast_in_dim3A_375 {strides = array<i32>} : memref<128x256xf32, #tpu.memory_space<vmem>>, vector<16xf32>,
        %swap3A_399 = arith.index_cast %add3A_373 : i32 to index
        %swap3A_400 = arith.constant 128 : index
        %swap3A_401 = tpu.vector_load %arg12[%swap3A_399, %swap3A_400] {strides = array<i32>} : memref<128x256xf32, #tpu.memory_space<vmem>>, vector<16xf32>,
        tpu.vector_store %arg12[%swap3A_399, %swap3A_400], %broadcast_in_dim3A_375 {strides = array<i32>} : memref<128x256xf32, #tpu.memory_space<vmem>>, vector<16xf32>,
        %swap3A_402 = arith.index_cast %add3A_373 : i32 to index
        %swap3A_403 = arith.constant 144 : index
        %swap3A_404 = tpu.vector_load %arg12[%swap3A_402, %swap3A_403] {strides = array<i32>} : memref<128x256xf32, #tpu.memory_space<vmem>>, vector<16xf32>,
        tpu.vector_store %arg12[%swap3A_402, %swap3A_403], %broadcast_in_dim3A_375 {strides = array<i32>} : memref<128x256xf32, #tpu.memory_space<vmem>>, vector<16xf32>,
        %swap3A_405 = arith.index_cast %add3A_373 : i32 to index
        %swap3A_406 = arith.constant 160 : index
        %swap3A_407 = tpu.vector_load %arg12[%swap3A_405, %swap3A_406] {strides = array<i32>} : memref<128x256xf32, #tpu.memory_space<vmem>>, vector<16xf32>,
        tpu.vector_store %arg12[%swap3A_405, %swap3A_406], %broadcast_in_dim3A_375 {strides = array<i32>} : memref<128x256xf32, #tpu.memory_space<vmem>>, vector<16xf32>,
        %swap3A_408 = arith.index_cast %add3A_373 : i32 to index
        %swap3A_409 = arith.constant 176 : index
        %swap3A_410 = tpu.vector_load %arg12[%swap3A_408, %swap3A_409] {strides = array<i32>} : memref<128x256xf32, #tpu.memory_space<vmem>>, vector<16xf32>,
        tpu.vector_store %arg12[%swap3A_408, %swap3A_409], %broadcast_in_dim3A_375 {strides = array<i32>} : memref<128x256xf32, #tpu.memory_space<vmem>>, vector<16xf32>,
        %swap3A_411 = arith.index_cast %add3A_373 : i32 to index
        %swap3A_412 = arith.constant 192 : index
        %swap3A_413 = tpu.vector_load %arg12[%swap3A_411, %swap3A_412] {strides = array<i32>} : memref<128x256xf32, #tpu.memory_space<vmem>>, vector<16xf32>,
        tpu.vector_store %arg12[%swap3A_411, %swap3A_412], %broadcast_in_dim3A_375 {strides = array<i32>} : memref<128x256xf32, #tpu.memory_space<vmem>>, vector<16xf32>,
        %swap3A_414 = arith.index_cast %add3A_373 : i32 to index
        %swap3A_415 = arith.constant 208 : index
        %swap3A_416 = tpu.vector_load %arg12[%swap3A_414, %swap3A_415] {strides = array<i32>} : memref<128x256xf32, #tpu.memory_space<vmem>>, vector<16xf32>,
        tpu.vector_store %arg12[%swap3A_414, %swap3A_415], %broadcast_in_dim3A_375 {strides = array<i32>} : memref<128x256xf32, #tpu.memory_space<vmem>>, vector<16xf32>,
        %swap3A_417 = arith.index_cast %add3A_373 : i32 to index
        %swap3A_418 = arith.constant 224 : index
        %swap3A_419 = tpu.vector_load %arg12[%swap3A_417, %swap3A_418] {strides = array<i32>} : memref<128x256xf32, #tpu.memory_space<vmem>>, vector<16xf32>,
        tpu.vector_store %arg12[%swap3A_417, %swap3A_418], %broadcast_in_dim3A_375 {strides = array<i32>} : memref<128x256xf32, #tpu.memory_space<vmem>>, vector<16xf32>,
        %swap3A_420 = arith.index_cast %add3A_373 : i32 to index
        %swap3A_421 = arith.constant 240 : index
        %swap3A_422 = tpu.vector_load %arg12[%swap3A_420, %swap3A_421] {strides = array<i32>} : memref<128x256xf32, #tpu.memory_space<vmem>>, vector<16xf32>,
        tpu.vector_store %arg12[%swap3A_420, %swap3A_421], %broadcast_in_dim3A_375 {strides = array<i32>} : memref<128x256xf32, #tpu.memory_space<vmem>>, vector<16xf32>,
      } else {
      }
    }
    %scan3A_237 = arith.constant 64 : i32
    %add3A_238 = arith.constant 1000 : i32
    %add3A_239 = arith.addi %add3A_238, %mul3A_4 : i32
    %add3A_240 = arith.constant 64 : i32
    %add3A_241 = arith.addi %add3A_239, %add3A_240 : i32
    %dma_start3A_242 = arith.constant 64 : i32
    %dma_start3A_243 = arith.constant 0 : i32
    %dma_start3A_244 = tpu.memref_slice %arg12[%dma_start3A_242, %dma_start3A_243] : memref<128x256xf32, #tpu.memory_space<vmem>> -> memref<64x256xf32, #tpu.memory_space<vmem>>
    %dma_start3A_245 = arith.constant 0 : i32
    %dma_start3A_246 = tpu.memref_slice %arg6[%add3A_241, %dma_start3A_245] : memref<15096x256xf32, #tpu.memory_space<hbm>> -> memref<64x256xf32, #tpu.memory_space<hbm>>
    %dma_start3A_247 = arith.constant 0 : i32
    %dma_start3A_248 = tpu.memref_slice %arg6[%add3A_241, %dma_start3A_247] : memref<15096x256xf32, #tpu.memory_space<hbm>> -> memref<64x256xf32, #tpu.memory_space<hbm>>
    %dma_start3A_249 = arith.constant 64 : i32
    %dma_start3A_250 = arith.constant 0 : i32
    %dma_start3A_251 = tpu.memref_slice %arg12[%dma_start3A_249, %dma_start3A_250] : memref<128x256xf32, #tpu.memory_space<vmem>> -> memref<64x256xf32, #tpu.memory_space<vmem>>
    tpu.enqueue_dma source(%dma_start3A_251 : memref<64x256xf32, #tpu.memory_space<vmem>>) target(%dma_start3A_248 : memref<64x256xf32, #tpu.memory_space<hbm>>) target_semaphore(%arg26 : memref<!tpu.dma_semaphore, #tpu.memory_space<semaphore_mem>>)
    %dma_wait3A_252 = arith.constant 0 : i32
    %dma_wait3A_253 = arith.constant 0 : i32
    %dma_wait3A_254 = tpu.memref_slice %arg17[%dma_wait3A_252, %dma_wait3A_253] : memref<88x256xf32, #tpu.memory_space<vmem>> -> memref<80x256xf32, #tpu.memory_space<vmem>>
    %dma_wait3A_255 = arith.constant 0 : i32
    %dma_wait3A_256 = tpu.memref_slice %arg3[%add3A_37, %dma_wait3A_255] : memref<10000x256xf32, #tpu.memory_space<hbm>> -> memref<80x256xf32, #tpu.memory_space<hbm>>
    %dma_wait3A_257 = arith.constant 0 : i32
    %dma_wait3A_258 = arith.constant 0 : i32
    %dma_wait3A_259 = tpu.memref_slice %arg17[%dma_wait3A_257, %dma_wait3A_258] : memref<88x256xf32, #tpu.memory_space<vmem>> -> memref<80x256xf32, #tpu.memory_space<vmem>>
    %dma_wait3A_260 = arith.constant 0 : i32
    %dma_wait3A_261 = tpu.memref_slice %arg3[%add3A_37, %dma_wait3A_260] : memref<10000x256xf32, #tpu.memory_space<hbm>> -> memref<80x256xf32, #tpu.memory_space<hbm>>
    tpu.wait_dma2 semaphore(%arg29 : memref<!tpu.dma_semaphore, #tpu.memory_space<semaphore_mem>>) src(%dma_wait3A_261 : memref<80x256xf32, #tpu.memory_space<hbm>>) dst(%dma_wait3A_259 : memref<80x256xf32, #tpu.memory_space<vmem>>)
    %scan3A_262 = arith.constant 0 : i32
    %scan3A_263 = arith.constant 0 : i32
    %scan3A_264 = arith.constant 80 : i32
    %scan3A_265 = arith.addi %scan3A_263, %scan3A_264 : i32
    %scan3A_266 = arith.constant 1 : i32
    scf.for %scan3A_366 = %scan3A_263 to %scan3A_265 step %scan3A_266  : i32 {
      %add3A_367 = arith.constant 168 : i32
      %add3A_368 = arith.addi %add3A_367, %scan3A_366 : i32
      %get3A = arith.index_cast %add3A_368 : i32 to index
      %get3A_369 = tpu.vector_load %arg13[%get3A] {strides = array<i32>} : memref<360xi32, #tpu.memory_space<vmem>>, vector<16xi32>,
      %slice3A = vector.extract_strided_slice %get3A_369 {offsets = [0], sizes = [1], strides = [1]} : vector<16xi32> to vector<1xi32>
      %squeeze3A = vector.extract %slice3A[0] : i32 from vector<1xi32>
      %gt3A = arith.constant 0 : i32
      %gt3A_370 = arith.cmpi sgt, %squeeze3A, %gt3A : i32
      %convert_element_type3A = arith.extui %gt3A_370 : i1 to i32
      %cond3A = arith.constant 0 : i32
      %cond3A_371 = arith.cmpi ne, %convert_element_type3A, %cond3A : i32
      scf.if %cond3A_371 {
        %broadcast_in_dim3A_372 = arith.constant 0.000000e+00 : f32
        %broadcast_in_dim3A_373 = vector.broadcast %broadcast_in_dim3A_372 : f32 to vector<16xf32>
        %swap3A = arith.index_cast %scan3A_366 : i32 to index
        %swap3A_374 = arith.constant 0 : index
        %swap3A_375 = tpu.vector_load %arg17[%swap3A, %swap3A_374] {strides = array<i32>} : memref<88x256xf32, #tpu.memory_space<vmem>>, vector<16xf32>,
        tpu.vector_store %arg17[%swap3A, %swap3A_374], %broadcast_in_dim3A_373 {strides = array<i32>} : memref<88x256xf32, #tpu.memory_space<vmem>>, vector<16xf32>,
        %swap3A_376 = arith.index_cast %scan3A_366 : i32 to index
        %swap3A_377 = arith.constant 16 : index
        %swap3A_378 = tpu.vector_load %arg17[%swap3A_376, %swap3A_377] {strides = array<i32>} : memref<88x256xf32, #tpu.memory_space<vmem>>, vector<16xf32>,
        tpu.vector_store %arg17[%swap3A_376, %swap3A_377], %broadcast_in_dim3A_373 {strides = array<i32>} : memref<88x256xf32, #tpu.memory_space<vmem>>, vector<16xf32>,
        %swap3A_379 = arith.index_cast %scan3A_366 : i32 to index
        %swap3A_380 = arith.constant 32 : index
        %swap3A_381 = tpu.vector_load %arg17[%swap3A_379, %swap3A_380] {strides = array<i32>} : memref<88x256xf32, #tpu.memory_space<vmem>>, vector<16xf32>,
        tpu.vector_store %arg17[%swap3A_379, %swap3A_380], %broadcast_in_dim3A_373 {strides = array<i32>} : memref<88x256xf32, #tpu.memory_space<vmem>>, vector<16xf32>,
        %swap3A_382 = arith.index_cast %scan3A_366 : i32 to index
        %swap3A_383 = arith.constant 48 : index
        %swap3A_384 = tpu.vector_load %arg17[%swap3A_382, %swap3A_383] {strides = array<i32>} : memref<88x256xf32, #tpu.memory_space<vmem>>, vector<16xf32>,
        tpu.vector_store %arg17[%swap3A_382, %swap3A_383], %broadcast_in_dim3A_373 {strides = array<i32>} : memref<88x256xf32, #tpu.memory_space<vmem>>, vector<16xf32>,
        %swap3A_385 = arith.index_cast %scan3A_366 : i32 to index
        %swap3A_386 = arith.constant 64 : index
        %swap3A_387 = tpu.vector_load %arg17[%swap3A_385, %swap3A_386] {strides = array<i32>} : memref<88x256xf32, #tpu.memory_space<vmem>>, vector<16xf32>,
        tpu.vector_store %arg17[%swap3A_385, %swap3A_386], %broadcast_in_dim3A_373 {strides = array<i32>} : memref<88x256xf32, #tpu.memory_space<vmem>>, vector<16xf32>,
        %swap3A_388 = arith.index_cast %scan3A_366 : i32 to index
        %swap3A_389 = arith.constant 80 : index
        %swap3A_390 = tpu.vector_load %arg17[%swap3A_388, %swap3A_389] {strides = array<i32>} : memref<88x256xf32, #tpu.memory_space<vmem>>, vector<16xf32>,
        tpu.vector_store %arg17[%swap3A_388, %swap3A_389], %broadcast_in_dim3A_373 {strides = array<i32>} : memref<88x256xf32, #tpu.memory_space<vmem>>, vector<16xf32>,
        %swap3A_391 = arith.index_cast %scan3A_366 : i32 to index
        %swap3A_392 = arith.constant 96 : index
        %swap3A_393 = tpu.vector_load %arg17[%swap3A_391, %swap3A_392] {strides = array<i32>} : memref<88x256xf32, #tpu.memory_space<vmem>>, vector<16xf32>,
        tpu.vector_store %arg17[%swap3A_391, %swap3A_392], %broadcast_in_dim3A_373 {strides = array<i32>} : memref<88x256xf32, #tpu.memory_space<vmem>>, vector<16xf32>,
        %swap3A_394 = arith.index_cast %scan3A_366 : i32 to index
        %swap3A_395 = arith.constant 112 : index
        %swap3A_396 = tpu.vector_load %arg17[%swap3A_394, %swap3A_395] {strides = array<i32>} : memref<88x256xf32, #tpu.memory_space<vmem>>, vector<16xf32>,
        tpu.vector_store %arg17[%swap3A_394, %swap3A_395], %broadcast_in_dim3A_373 {strides = array<i32>} : memref<88x256xf32, #tpu.memory_space<vmem>>, vector<16xf32>,
        %swap3A_397 = arith.index_cast %scan3A_366 : i32 to index
        %swap3A_398 = arith.constant 128 : index
        %swap3A_399 = tpu.vector_load %arg17[%swap3A_397, %swap3A_398] {strides = array<i32>} : memref<88x256xf32, #tpu.memory_space<vmem>>, vector<16xf32>,
        tpu.vector_store %arg17[%swap3A_397, %swap3A_398], %broadcast_in_dim3A_373 {strides = array<i32>} : memref<88x256xf32, #tpu.memory_space<vmem>>, vector<16xf32>,
        %swap3A_400 = arith.index_cast %scan3A_366 : i32 to index
        %swap3A_401 = arith.constant 144 : index
        %swap3A_402 = tpu.vector_load %arg17[%swap3A_400, %swap3A_401] {strides = array<i32>} : memref<88x256xf32, #tpu.memory_space<vmem>>, vector<16xf32>,
        tpu.vector_store %arg17[%swap3A_400, %swap3A_401], %broadcast_in_dim3A_373 {strides = array<i32>} : memref<88x256xf32, #tpu.memory_space<vmem>>, vector<16xf32>,
        %swap3A_403 = arith.index_cast %scan3A_366 : i32 to index
        %swap3A_404 = arith.constant 160 : index
        %swap3A_405 = tpu.vector_load %arg17[%swap3A_403, %swap3A_404] {strides = array<i32>} : memref<88x256xf32, #tpu.memory_space<vmem>>, vector<16xf32>,
        tpu.vector_store %arg17[%swap3A_403, %swap3A_404], %broadcast_in_dim3A_373 {strides = array<i32>} : memref<88x256xf32, #tpu.memory_space<vmem>>, vector<16xf32>,
        %swap3A_406 = arith.index_cast %scan3A_366 : i32 to index
        %swap3A_407 = arith.constant 176 : index
        %swap3A_408 = tpu.vector_load %arg17[%swap3A_406, %swap3A_407] {strides = array<i32>} : memref<88x256xf32, #tpu.memory_space<vmem>>, vector<16xf32>,
        tpu.vector_store %arg17[%swap3A_406, %swap3A_407], %broadcast_in_dim3A_373 {strides = array<i32>} : memref<88x256xf32, #tpu.memory_space<vmem>>, vector<16xf32>,
        %swap3A_409 = arith.index_cast %scan3A_366 : i32 to index
        %swap3A_410 = arith.constant 192 : index
        %swap3A_411 = tpu.vector_load %arg17[%swap3A_409, %swap3A_410] {strides = array<i32>} : memref<88x256xf32, #tpu.memory_space<vmem>>, vector<16xf32>,
        tpu.vector_store %arg17[%swap3A_409, %swap3A_410], %broadcast_in_dim3A_373 {strides = array<i32>} : memref<88x256xf32, #tpu.memory_space<vmem>>, vector<16xf32>,
        %swap3A_412 = arith.index_cast %scan3A_366 : i32 to index
        %swap3A_413 = arith.constant 208 : index
        %swap3A_414 = tpu.vector_load %arg17[%swap3A_412, %swap3A_413] {strides = array<i32>} : memref<88x256xf32, #tpu.memory_space<vmem>>, vector<16xf32>,
        tpu.vector_store %arg17[%swap3A_412, %swap3A_413], %broadcast_in_dim3A_373 {strides = array<i32>} : memref<88x256xf32, #tpu.memory_space<vmem>>, vector<16xf32>,
        %swap3A_415 = arith.index_cast %scan3A_366 : i32 to index
        %swap3A_416 = arith.constant 224 : index
        %swap3A_417 = tpu.vector_load %arg17[%swap3A_415, %swap3A_416] {strides = array<i32>} : memref<88x256xf32, #tpu.memory_space<vmem>>, vector<16xf32>,
        tpu.vector_store %arg17[%swap3A_415, %swap3A_416], %broadcast_in_dim3A_373 {strides = array<i32>} : memref<88x256xf32, #tpu.memory_space<vmem>>, vector<16xf32>,
        %swap3A_418 = arith.index_cast %scan3A_366 : i32 to index
        %swap3A_419 = arith.constant 240 : index
        %swap3A_420 = tpu.vector_load %arg17[%swap3A_418, %swap3A_419] {strides = array<i32>} : memref<88x256xf32, #tpu.memory_space<vmem>>, vector<16xf32>,
        tpu.vector_store %arg17[%swap3A_418, %swap3A_419], %broadcast_in_dim3A_373 {strides = array<i32>} : memref<88x256xf32, #tpu.memory_space<vmem>>, vector<16xf32>,
      } else {
      }
    }
    %scan3A_267 = arith.constant 80 : i32
    %add3A_268 = arith.constant 5096 : i32
    %add3A_269 = arith.addi %add3A_268, %mul3A_2 : i32
    %add3A_270 = arith.constant 168 : i32
    %add3A_271 = arith.addi %add3A_269, %add3A_270 : i32
    %dma_start3A_272 = arith.constant 0 : i32
    %dma_start3A_273 = arith.constant 0 : i32
    %dma_start3A_274 = tpu.memref_slice %arg17[%dma_start3A_272, %dma_start3A_273] : memref<88x256xf32, #tpu.memory_space<vmem>> -> memref<80x256xf32, #tpu.memory_space<vmem>>
    %dma_start3A_275 = arith.constant 0 : i32
    %dma_start3A_276 = tpu.memref_slice %arg6[%add3A_271, %dma_start3A_275] : memref<15096x256xf32, #tpu.memory_space<hbm>> -> memref<80x256xf32, #tpu.memory_space<hbm>>
    %dma_start3A_277 = arith.constant 0 : i32
    %dma_start3A_278 = tpu.memref_slice %arg6[%add3A_271, %dma_start3A_277] : memref<15096x256xf32, #tpu.memory_space<hbm>> -> memref<80x256xf32, #tpu.memory_space<hbm>>
    %dma_start3A_279 = arith.constant 0 : i32
    %dma_start3A_280 = arith.constant 0 : i32
    %dma_start3A_281 = tpu.memref_slice %arg17[%dma_start3A_279, %dma_start3A_280] : memref<88x256xf32, #tpu.memory_space<vmem>> -> memref<80x256xf32, #tpu.memory_space<vmem>>
    tpu.enqueue_dma source(%dma_start3A_281 : memref<80x256xf32, #tpu.memory_space<vmem>>) target(%dma_start3A_278 : memref<80x256xf32, #tpu.memory_space<hbm>>) target_semaphore(%arg32 : memref<!tpu.dma_semaphore, #tpu.memory_space<semaphore_mem>>)
    %dma_wait3A_282 = arith.constant 0 : i32
    %dma_wait3A_283 = arith.constant 0 : i32
    %dma_wait3A_284 = tpu.memref_slice %arg15[%dma_wait3A_282, %dma_wait3A_283] : memref<88x256xf32, #tpu.memory_space<vmem>> -> memref<80x256xf32, #tpu.memory_space<vmem>>
    %dma_wait3A_285 = arith.constant 0 : i32
    %dma_wait3A_286 = tpu.memref_slice %arg3[%add3A_147, %dma_wait3A_285] : memref<10000x256xf32, #tpu.memory_space<hbm>> -> memref<80x256xf32, #tpu.memory_space<hbm>>
    %dma_wait3A_287 = arith.constant 0 : i32
    %dma_wait3A_288 = arith.constant 0 : i32
    %dma_wait3A_289 = tpu.memref_slice %arg15[%dma_wait3A_287, %dma_wait3A_288] : memref<88x256xf32, #tpu.memory_space<vmem>> -> memref<80x256xf32, #tpu.memory_space<vmem>>
    %dma_wait3A_290 = arith.constant 0 : i32
    %dma_wait3A_291 = tpu.memref_slice %arg3[%add3A_147, %dma_wait3A_290] : memref<10000x256xf32, #tpu.memory_space<hbm>> -> memref<80x256xf32, #tpu.memory_space<hbm>>
    tpu.wait_dma2 semaphore(%arg27 : memref<!tpu.dma_semaphore, #tpu.memory_space<semaphore_mem>>) src(%dma_wait3A_291 : memref<80x256xf32, #tpu.memory_space<hbm>>) dst(%dma_wait3A_289 : memref<80x256xf32, #tpu.memory_space<vmem>>)
    %scan3A_292 = arith.constant 0 : i32
    %scan3A_293 = arith.constant 0 : i32
    %scan3A_294 = arith.constant 80 : i32
    %scan3A_295 = arith.addi %scan3A_293, %scan3A_294 : i32
    %scan3A_296 = arith.constant 1 : i32
    scf.for %scan3A_366 = %scan3A_293 to %scan3A_295 step %scan3A_296  : i32 {
      %add3A_367 = arith.constant 248 : i32
      %add3A_368 = arith.addi %add3A_367, %scan3A_366 : i32
      %get3A = arith.index_cast %add3A_368 : i32 to index
      %get3A_369 = tpu.vector_load %arg13[%get3A] {strides = array<i32>} : memref<360xi32, #tpu.memory_space<vmem>>, vector<16xi32>,
      %slice3A = vector.extract_strided_slice %get3A_369 {offsets = [0], sizes = [1], strides = [1]} : vector<16xi32> to vector<1xi32>
      %squeeze3A = vector.extract %slice3A[0] : i32 from vector<1xi32>
      %gt3A = arith.constant 0 : i32
      %gt3A_370 = arith.cmpi sgt, %squeeze3A, %gt3A : i32
      %convert_element_type3A = arith.extui %gt3A_370 : i1 to i32
      %cond3A = arith.constant 0 : i32
      %cond3A_371 = arith.cmpi ne, %convert_element_type3A, %cond3A : i32
      scf.if %cond3A_371 {
        %broadcast_in_dim3A_372 = arith.constant 0.000000e+00 : f32
        %broadcast_in_dim3A_373 = vector.broadcast %broadcast_in_dim3A_372 : f32 to vector<16xf32>
        %swap3A = arith.index_cast %scan3A_366 : i32 to index
        %swap3A_374 = arith.constant 0 : index
        %swap3A_375 = tpu.vector_load %arg15[%swap3A, %swap3A_374] {strides = array<i32>} : memref<88x256xf32, #tpu.memory_space<vmem>>, vector<16xf32>,
        tpu.vector_store %arg15[%swap3A, %swap3A_374], %broadcast_in_dim3A_373 {strides = array<i32>} : memref<88x256xf32, #tpu.memory_space<vmem>>, vector<16xf32>,
        %swap3A_376 = arith.index_cast %scan3A_366 : i32 to index
        %swap3A_377 = arith.constant 16 : index
        %swap3A_378 = tpu.vector_load %arg15[%swap3A_376, %swap3A_377] {strides = array<i32>} : memref<88x256xf32, #tpu.memory_space<vmem>>, vector<16xf32>,
        tpu.vector_store %arg15[%swap3A_376, %swap3A_377], %broadcast_in_dim3A_373 {strides = array<i32>} : memref<88x256xf32, #tpu.memory_space<vmem>>, vector<16xf32>,
        %swap3A_379 = arith.index_cast %scan3A_366 : i32 to index
        %swap3A_380 = arith.constant 32 : index
        %swap3A_381 = tpu.vector_load %arg15[%swap3A_379, %swap3A_380] {strides = array<i32>} : memref<88x256xf32, #tpu.memory_space<vmem>>, vector<16xf32>,
        tpu.vector_store %arg15[%swap3A_379, %swap3A_380], %broadcast_in_dim3A_373 {strides = array<i32>} : memref<88x256xf32, #tpu.memory_space<vmem>>, vector<16xf32>,
        %swap3A_382 = arith.index_cast %scan3A_366 : i32 to index
        %swap3A_383 = arith.constant 48 : index
        %swap3A_384 = tpu.vector_load %arg15[%swap3A_382, %swap3A_383] {strides = array<i32>} : memref<88x256xf32, #tpu.memory_space<vmem>>, vector<16xf32>,
        tpu.vector_store %arg15[%swap3A_382, %swap3A_383], %broadcast_in_dim3A_373 {strides = array<i32>} : memref<88x256xf32, #tpu.memory_space<vmem>>, vector<16xf32>,
        %swap3A_385 = arith.index_cast %scan3A_366 : i32 to index
        %swap3A_386 = arith.constant 64 : index
        %swap3A_387 = tpu.vector_load %arg15[%swap3A_385, %swap3A_386] {strides = array<i32>} : memref<88x256xf32, #tpu.memory_space<vmem>>, vector<16xf32>,
        tpu.vector_store %arg15[%swap3A_385, %swap3A_386], %broadcast_in_dim3A_373 {strides = array<i32>} : memref<88x256xf32, #tpu.memory_space<vmem>>, vector<16xf32>,
        %swap3A_388 = arith.index_cast %scan3A_366 : i32 to index
        %swap3A_389 = arith.constant 80 : index
        %swap3A_390 = tpu.vector_load %arg15[%swap3A_388, %swap3A_389] {strides = array<i32>} : memref<88x256xf32, #tpu.memory_space<vmem>>, vector<16xf32>,
        tpu.vector_store %arg15[%swap3A_388, %swap3A_389], %broadcast_in_dim3A_373 {strides = array<i32>} : memref<88x256xf32, #tpu.memory_space<vmem>>, vector<16xf32>,
        %swap3A_391 = arith.index_cast %scan3A_366 : i32 to index
        %swap3A_392 = arith.constant 96 : index
        %swap3A_393 = tpu.vector_load %arg15[%swap3A_391, %swap3A_392] {strides = array<i32>} : memref<88x256xf32, #tpu.memory_space<vmem>>, vector<16xf32>,
        tpu.vector_store %arg15[%swap3A_391, %swap3A_392], %broadcast_in_dim3A_373 {strides = array<i32>} : memref<88x256xf32, #tpu.memory_space<vmem>>, vector<16xf32>,
        %swap3A_394 = arith.index_cast %scan3A_366 : i32 to index
        %swap3A_395 = arith.constant 112 : index
        %swap3A_396 = tpu.vector_load %arg15[%swap3A_394, %swap3A_395] {strides = array<i32>} : memref<88x256xf32, #tpu.memory_space<vmem>>, vector<16xf32>,
        tpu.vector_store %arg15[%swap3A_394, %swap3A_395], %broadcast_in_dim3A_373 {strides = array<i32>} : memref<88x256xf32, #tpu.memory_space<vmem>>, vector<16xf32>,
        %swap3A_397 = arith.index_cast %scan3A_366 : i32 to index
        %swap3A_398 = arith.constant 128 : index
        %swap3A_399 = tpu.vector_load %arg15[%swap3A_397, %swap3A_398] {strides = array<i32>} : memref<88x256xf32, #tpu.memory_space<vmem>>, vector<16xf32>,
        tpu.vector_store %arg15[%swap3A_397, %swap3A_398], %broadcast_in_dim3A_373 {strides = array<i32>} : memref<88x256xf32, #tpu.memory_space<vmem>>, vector<16xf32>,
        %swap3A_400 = arith.index_cast %scan3A_366 : i32 to index
        %swap3A_401 = arith.constant 144 : index
        %swap3A_402 = tpu.vector_load %arg15[%swap3A_400, %swap3A_401] {strides = array<i32>} : memref<88x256xf32, #tpu.memory_space<vmem>>, vector<16xf32>,
        tpu.vector_store %arg15[%swap3A_400, %swap3A_401], %broadcast_in_dim3A_373 {strides = array<i32>} : memref<88x256xf32, #tpu.memory_space<vmem>>, vector<16xf32>,
        %swap3A_403 = arith.index_cast %scan3A_366 : i32 to index
        %swap3A_404 = arith.constant 160 : index
        %swap3A_405 = tpu.vector_load %arg15[%swap3A_403, %swap3A_404] {strides = array<i32>} : memref<88x256xf32, #tpu.memory_space<vmem>>, vector<16xf32>,
        tpu.vector_store %arg15[%swap3A_403, %swap3A_404], %broadcast_in_dim3A_373 {strides = array<i32>} : memref<88x256xf32, #tpu.memory_space<vmem>>, vector<16xf32>,
        %swap3A_406 = arith.index_cast %scan3A_366 : i32 to index
        %swap3A_407 = arith.constant 176 : index
        %swap3A_408 = tpu.vector_load %arg15[%swap3A_406, %swap3A_407] {strides = array<i32>} : memref<88x256xf32, #tpu.memory_space<vmem>>, vector<16xf32>,
        tpu.vector_store %arg15[%swap3A_406, %swap3A_407], %broadcast_in_dim3A_373 {strides = array<i32>} : memref<88x256xf32, #tpu.memory_space<vmem>>, vector<16xf32>,
        %swap3A_409 = arith.index_cast %scan3A_366 : i32 to index
        %swap3A_410 = arith.constant 192 : index
        %swap3A_411 = tpu.vector_load %arg15[%swap3A_409, %swap3A_410] {strides = array<i32>} : memref<88x256xf32, #tpu.memory_space<vmem>>, vector<16xf32>,
        tpu.vector_store %arg15[%swap3A_409, %swap3A_410], %broadcast_in_dim3A_373 {strides = array<i32>} : memref<88x256xf32, #tpu.memory_space<vmem>>, vector<16xf32>,
        %swap3A_412 = arith.index_cast %scan3A_366 : i32 to index
        %swap3A_413 = arith.constant 208 : index
        %swap3A_414 = tpu.vector_load %arg15[%swap3A_412, %swap3A_413] {strides = array<i32>} : memref<88x256xf32, #tpu.memory_space<vmem>>, vector<16xf32>,
        tpu.vector_store %arg15[%swap3A_412, %swap3A_413], %broadcast_in_dim3A_373 {strides = array<i32>} : memref<88x256xf32, #tpu.memory_space<vmem>>, vector<16xf32>,
        %swap3A_415 = arith.index_cast %scan3A_366 : i32 to index
        %swap3A_416 = arith.constant 224 : index
        %swap3A_417 = tpu.vector_load %arg15[%swap3A_415, %swap3A_416] {strides = array<i32>} : memref<88x256xf32, #tpu.memory_space<vmem>>, vector<16xf32>,
        tpu.vector_store %arg15[%swap3A_415, %swap3A_416], %broadcast_in_dim3A_373 {strides = array<i32>} : memref<88x256xf32, #tpu.memory_space<vmem>>, vector<16xf32>,
        %swap3A_418 = arith.index_cast %scan3A_366 : i32 to index
        %swap3A_419 = arith.constant 240 : index
        %swap3A_420 = tpu.vector_load %arg15[%swap3A_418, %swap3A_419] {strides = array<i32>} : memref<88x256xf32, #tpu.memory_space<vmem>>, vector<16xf32>,
        tpu.vector_store %arg15[%swap3A_418, %swap3A_419], %broadcast_in_dim3A_373 {strides = array<i32>} : memref<88x256xf32, #tpu.memory_space<vmem>>, vector<16xf32>,
      } else {
      }
    }
    %scan3A_297 = arith.constant 80 : i32
    %add3A_298 = arith.constant 5096 : i32
    %add3A_299 = arith.addi %add3A_298, %mul3A_2 : i32
    %add3A_300 = arith.constant 248 : i32
    %add3A_301 = arith.addi %add3A_299, %add3A_300 : i32
    %dma_start3A_302 = arith.constant 0 : i32
    %dma_start3A_303 = arith.constant 0 : i32
    %dma_start3A_304 = tpu.memref_slice %arg15[%dma_start3A_302, %dma_start3A_303] : memref<88x256xf32, #tpu.memory_space<vmem>> -> memref<80x256xf32, #tpu.memory_space<vmem>>
    %dma_start3A_305 = arith.constant 0 : i32
    %dma_start3A_306 = tpu.memref_slice %arg6[%add3A_301, %dma_start3A_305] : memref<15096x256xf32, #tpu.memory_space<hbm>> -> memref<80x256xf32, #tpu.memory_space<hbm>>
    %dma_start3A_307 = arith.constant 0 : i32
    %dma_start3A_308 = tpu.memref_slice %arg6[%add3A_301, %dma_start3A_307] : memref<15096x256xf32, #tpu.memory_space<hbm>> -> memref<80x256xf32, #tpu.memory_space<hbm>>
    %dma_start3A_309 = arith.constant 0 : i32
    %dma_start3A_310 = arith.constant 0 : i32
    %dma_start3A_311 = tpu.memref_slice %arg15[%dma_start3A_309, %dma_start3A_310] : memref<88x256xf32, #tpu.memory_space<vmem>> -> memref<80x256xf32, #tpu.memory_space<vmem>>
    tpu.enqueue_dma source(%dma_start3A_311 : memref<80x256xf32, #tpu.memory_space<vmem>>) target(%dma_start3A_308 : memref<80x256xf32, #tpu.memory_space<hbm>>) target_semaphore(%arg30 : memref<!tpu.dma_semaphore, #tpu.memory_space<semaphore_mem>>)
    %dma_wait3A_312 = arith.constant 0 : i32
    %dma_wait3A_313 = arith.constant 0 : i32
    %dma_wait3A_314 = tpu.memref_slice %arg16[%dma_wait3A_312, %dma_wait3A_313] : memref<88x256xf32, #tpu.memory_space<vmem>> -> memref<80x256xf32, #tpu.memory_space<vmem>>
    %dma_wait3A_315 = arith.constant 0 : i32
    %dma_wait3A_316 = tpu.memref_slice %arg6[%add3A_213, %dma_wait3A_315] : memref<15096x256xf32, #tpu.memory_space<hbm>> -> memref<80x256xf32, #tpu.memory_space<hbm>>
    %dma_wait3A_317 = arith.constant 0 : i32
    %dma_wait3A_318 = tpu.memref_slice %arg6[%add3A_213, %dma_wait3A_317] : memref<15096x256xf32, #tpu.memory_space<hbm>> -> memref<80x256xf32, #tpu.memory_space<hbm>>
    %dma_wait3A_319 = arith.constant 0 : i32
    %dma_wait3A_320 = arith.constant 0 : i32
    %dma_wait3A_321 = tpu.memref_slice %arg16[%dma_wait3A_319, %dma_wait3A_320] : memref<88x256xf32, #tpu.memory_space<vmem>> -> memref<80x256xf32, #tpu.memory_space<vmem>>
    tpu.wait_dma2 semaphore(%arg31 : memref<!tpu.dma_semaphore, #tpu.memory_space<semaphore_mem>>) src(%dma_wait3A_321 : memref<80x256xf32, #tpu.memory_space<vmem>>) dst(%dma_wait3A_318 : memref<80x256xf32, #tpu.memory_space<hbm>>)
    %dma_wait3A_322 = arith.constant 0 : i32
    %dma_wait3A_323 = arith.constant 0 : i32
    %dma_wait3A_324 = tpu.memref_slice %arg17[%dma_wait3A_322, %dma_wait3A_323] : memref<88x256xf32, #tpu.memory_space<vmem>> -> memref<80x256xf32, #tpu.memory_space<vmem>>
    %dma_wait3A_325 = arith.constant 0 : i32
    %dma_wait3A_326 = tpu.memref_slice %arg6[%add3A_271, %dma_wait3A_325] : memref<15096x256xf32, #tpu.memory_space<hbm>> -> memref<80x256xf32, #tpu.memory_space<hbm>>
    %dma_wait3A_327 = arith.constant 0 : i32
    %dma_wait3A_328 = tpu.memref_slice %arg6[%add3A_271, %dma_wait3A_327] : memref<15096x256xf32, #tpu.memory_space<hbm>> -> memref<80x256xf32, #tpu.memory_space<hbm>>
    %dma_wait3A_329 = arith.constant 0 : i32
    %dma_wait3A_330 = arith.constant 0 : i32
    %dma_wait3A_331 = tpu.memref_slice %arg17[%dma_wait3A_329, %dma_wait3A_330] : memref<88x256xf32, #tpu.memory_space<vmem>> -> memref<80x256xf32, #tpu.memory_space<vmem>>
    tpu.wait_dma2 semaphore(%arg32 : memref<!tpu.dma_semaphore, #tpu.memory_space<semaphore_mem>>) src(%dma_wait3A_331 : memref<80x256xf32, #tpu.memory_space<vmem>>) dst(%dma_wait3A_328 : memref<80x256xf32, #tpu.memory_space<hbm>>)
    %dma_wait3A_332 = arith.constant 0 : i32
    %dma_wait3A_333 = arith.constant 0 : i32
    %dma_wait3A_334 = tpu.memref_slice %arg15[%dma_wait3A_332, %dma_wait3A_333] : memref<88x256xf32, #tpu.memory_space<vmem>> -> memref<80x256xf32, #tpu.memory_space<vmem>>
    %dma_wait3A_335 = arith.constant 0 : i32
    %dma_wait3A_336 = tpu.memref_slice %arg6[%add3A_301, %dma_wait3A_335] : memref<15096x256xf32, #tpu.memory_space<hbm>> -> memref<80x256xf32, #tpu.memory_space<hbm>>
    %dma_wait3A_337 = arith.constant 0 : i32
    %dma_wait3A_338 = tpu.memref_slice %arg6[%add3A_301, %dma_wait3A_337] : memref<15096x256xf32, #tpu.memory_space<hbm>> -> memref<80x256xf32, #tpu.memory_space<hbm>>
    %dma_wait3A_339 = arith.constant 0 : i32
    %dma_wait3A_340 = arith.constant 0 : i32
    %dma_wait3A_341 = tpu.memref_slice %arg15[%dma_wait3A_339, %dma_wait3A_340] : memref<88x256xf32, #tpu.memory_space<vmem>> -> memref<80x256xf32, #tpu.memory_space<vmem>>
    tpu.wait_dma2 semaphore(%arg30 : memref<!tpu.dma_semaphore, #tpu.memory_space<semaphore_mem>>) src(%dma_wait3A_341 : memref<80x256xf32, #tpu.memory_space<vmem>>) dst(%dma_wait3A_338 : memref<80x256xf32, #tpu.memory_space<hbm>>)
    %dma_wait3A_342 = arith.constant 0 : i32
    %dma_wait3A_343 = arith.constant 0 : i32
    %dma_wait3A_344 = tpu.memref_slice %arg12[%dma_wait3A_342, %dma_wait3A_343] : memref<128x256xf32, #tpu.memory_space<vmem>> -> memref<64x256xf32, #tpu.memory_space<vmem>>
    %dma_wait3A_345 = arith.constant 0 : i32
    %dma_wait3A_346 = tpu.memref_slice %arg6[%add3A_183, %dma_wait3A_345] : memref<15096x256xf32, #tpu.memory_space<hbm>> -> memref<64x256xf32, #tpu.memory_space<hbm>>
    %dma_wait3A_347 = arith.constant 0 : i32
    %dma_wait3A_348 = tpu.memref_slice %arg6[%add3A_183, %dma_wait3A_347] : memref<15096x256xf32, #tpu.memory_space<hbm>> -> memref<64x256xf32, #tpu.memory_space<hbm>>
    %dma_wait3A_349 = arith.constant 0 : i32
    %dma_wait3A_350 = arith.constant 0 : i32
    %dma_wait3A_351 = tpu.memref_slice %arg12[%dma_wait3A_349, %dma_wait3A_350] : memref<128x256xf32, #tpu.memory_space<vmem>> -> memref<64x256xf32, #tpu.memory_space<vmem>>
    tpu.wait_dma2 semaphore(%arg25 : memref<!tpu.dma_semaphore, #tpu.memory_space<semaphore_mem>>) src(%dma_wait3A_351 : memref<64x256xf32, #tpu.memory_space<vmem>>) dst(%dma_wait3A_348 : memref<64x256xf32, #tpu.memory_space<hbm>>)
    %dma_wait3A_352 = arith.constant 64 : i32
    %dma_wait3A_353 = arith.constant 0 : i32
    %dma_wait3A_354 = tpu.memref_slice %arg12[%dma_wait3A_352, %dma_wait3A_353] : memref<128x256xf32, #tpu.memory_space<vmem>> -> memref<64x256xf32, #tpu.memory_space<vmem>>
    %dma_wait3A_355 = arith.constant 0 : i32
    %dma_wait3A_356 = tpu.memref_slice %arg6[%add3A_241, %dma_wait3A_355] : memref<15096x256xf32, #tpu.memory_space<hbm>> -> memref<64x256xf32, #tpu.memory_space<hbm>>
    %dma_wait3A_357 = arith.constant 0 : i32
    %dma_wait3A_358 = tpu.memref_slice %arg6[%add3A_241, %dma_wait3A_357] : memref<15096x256xf32, #tpu.memory_space<hbm>> -> memref<64x256xf32, #tpu.memory_space<hbm>>
    %dma_wait3A_359 = arith.constant 64 : i32
    %dma_wait3A_360 = arith.constant 0 : i32
    %dma_wait3A_361 = tpu.memref_slice %arg12[%dma_wait3A_359, %dma_wait3A_360] : memref<128x256xf32, #tpu.memory_space<vmem>> -> memref<64x256xf32, #tpu.memory_space<vmem>>
    tpu.wait_dma2 semaphore(%arg26 : memref<!tpu.dma_semaphore, #tpu.memory_space<semaphore_mem>>) src(%dma_wait3A_361 : memref<64x256xf32, #tpu.memory_space<vmem>>) dst(%dma_wait3A_358 : memref<64x256xf32, #tpu.memory_space<hbm>>)
    %dma_wait3A_362 = arith.constant 0 : i32
    %dma_wait3A_363 = tpu.memref_slice %arg6[%min3A_50, %dma_wait3A_362] : memref<15096x256xf32, #tpu.memory_space<hbm>> -> memref<32x256xf32, #tpu.memory_space<hbm>>
    %dma_wait3A_364 = arith.constant 0 : i32
    %dma_wait3A_365 = tpu.memref_slice %arg6[%min3A_50, %dma_wait3A_364] : memref<15096x256xf32, #tpu.memory_space<hbm>> -> memref<32x256xf32, #tpu.memory_space<hbm>>
    tpu.wait_dma2 semaphore(%arg21 : memref<!tpu.dma_semaphore, #tpu.memory_space<semaphore_mem>>) src(%arg11 : memref<32x256xf32, #tpu.memory_space<vmem>>) dst(%dma_wait3A_365 : memref<32x256xf32, #tpu.memory_space<hbm>>)
    return
  }
}

</mosaic_0001>

<sc_bundles>
// kernel: kernel.3.cloned.1.call-start
scs
__scs_entry_jumppad:
0x0: {  	(pc) =	sbr.rel $0x88, $3  }
0x1: {  	(tag) =	ssettag $0x0;
	lr =	simm.s32 $0x1  }
0x2: {  	[smem:$0x3F9D] =	sst lr;
	_ =	strace $0xD0000000  }
0x3: {  	_ = 	snop  }
0x4: {  	_ = 	snop  }
0x5: {  	_ = 	snop  }
0x6: {  	_ = 	snop  }
0x7: {  	_ = 	snop  }
__scs_overlays_trampoline_lowered:
0x8: {  	[smem:$0x3FAC] =	sst s0  }
0x9: {  	[smem:$0x3FAD] =	sst s1  }
0xa: {  	[smem:$0x3FAE] =	sst s2  }
0xb: {  	[smem:$0x3FAF] =	sst s3  }
0xc: {  	[smem:$0x3FB0] =	sst s4  }
0xd: {  	[smem:$0x3FB1] =	sst s5  }
0xe: {  	[smem:$0x3FB2] =	sst s6  }
0xf: {  	[smem:$0x3FB3] =	sst s7  }
0x10: {  	[smem:$0x3FB4] =	sst s8  }
0x11: {  	[smem:$0x3FB5] =	sst s9;
	s0 =	simm.s32 @!p0 $0x0  }
0x12: {  	s1 =	sld [smem:$0x3F9B];
	s0 =	simm.s32 @p0 $0x1  }
0x13: {  	[smem:$0x3FB6] =	sst s0;
	s0 =	simm.s32 @!p1 $0x0  }
0x14: {  	s2 =	sld [smem:$0x3F9A];
	s0 =	simm.s32 @p1 $0x1  }
0x15: {  	[smem:$0x3FB7] =	sst s0;
	s0 =	simm.s32 @!p2 $0x0  }
0x16: {  	s3 =	sld [smem:$0x3FDB];
	s0 =	simm.s32 @p2 $0x1  }
0x17: {  	s4 =	simm.s32 $0x1BF5;
	[smem:$0x3FB9] =	sst s0  }
0x18: {  	s0 =	sld [smem:$0x3F9C];
	_ =	swait.ge [sflag:s4], $0x0  }
0x19: {  	s7 =	sld [smem:$0x3F9D]  }
0x1a: {  	s8 =	sadd.s32 $0xFFFFE003, lr  }
0x1b: {  	s9 =	sadd.s32 $0xFFFFFEF7, lr;
	s5 =	simm.s32 $0xFFFFFFFF;
	p2 =	slt.u32 s8, $0xFFFFF086  }
0x1c: {  	p1 =	slt.u32 s9, $0xF7A;
	s5 =	simm.s32 @!p2 $0x0  }
0x1d: {  	s5 =	simm.s32 @p1 $0x1;
	p0 =	seq.s32 s7, s2  }
0x1e: {  	s7 =	smul.u32 @!p0 $0xF7A, s2;
	p2 =	seq.s32 @!p0 s5, $0x0  }
0x1f: {  	s9 =	smul.u32 $0xF7A, s1;
	s8 =	simm.s32 @!p0 $0x1BF5;
	p2 =	por !p2, p0  }
0x20: {  	[sflag:s8] =	ssyncset.s32 @!p0 $0xFFFFF086;
	s6 =	sadd.s32 @!p0 s3, s7;
	s7 =	simm.s32 @!p0 $0x108  }
0x21: {  	s3 =	sadd.s32 s3, s9;
	s6 =	sadd.s32 @!p0 $0x88, s6;
	s7 =	simm.s32 @p2 $0x1082  }
0x22: {  	[simem:s7], [sflag:s8] =	dma.local @!p0 [hbm:s6], $0xF7A  }
0x23: {  	s9 =	sor.u32 $0xD0000000, s2;
	s6 =	simm.s32 $0x108;
	_ =	swait.ge @!p0 [sflag:s8], $0x0  }
0x24: {  	s3 =	sadd.s32 $0x88, s3;
	s6 =	simm.s32 @!p1 $0x1082;
	[sflag:s4] =	ssyncset.s32 $0xFFFFF086  }
0x25: {  	[simem:s6], [sflag:s4] =	dma.local [hbm:s3], $0xF7A  }
0x26: {  	[smem:$0x3F9D] =	sst s1;
	(tag) =	ssettag s2;
	_ =	strace s9  }
0x27: {  	s1 =	sld [smem:$0x3FAD]  }
0x28: {  	s2 =	sld [smem:$0x3FAE]  }
0x29: {  	s4 =	sld [smem:$0x3FB0]  }
0x2a: {  	p0 =	seq.s32 s5, $0x0;
	s5 =	sld [smem:$0x3FB1]  }
0x2b: {  	s6 =	sld [smem:$0x3FB2]  }
0x2c: {  	s7 =	sld [smem:$0x3FB3]  }
0x2d: {  	s3 =	simm.s32 $0x108;
	s8 =	sld [smem:$0x3FB4]  }
0x2e: {  	s3 =	simm.s32 @!p0 $0x1082;
	s9 =	sld [smem:$0x3FB5]  }
0x2f: {  	lr =	sadd.s32 s0, s3;
	s0 =	sld [smem:$0x3FAC]  }
0x30: {  	s3 =	sld [smem:$0x3FAF]  }
0x31: {  	[smem:$0x3FB8] =	sst s10  }
0x32: {  	s10 =	sld [smem:$0x3FB6];
	_ =	sdelay $0x3  }
0x33: {  	p0 =	seq.s32 s10, $0x1;
	s10 =	sld [smem:$0x3FB8];
	_ =	sdelay $0x3  }
0x34: {  	[smem:$0x3FB8] =	sst s10  }
0x35: {  	s10 =	sld [smem:$0x3FB7];
	_ =	sdelay $0x3  }
0x36: {  	p1 =	seq.s32 s10, $0x1;
	s10 =	sld [smem:$0x3FB8];
	_ =	sdelay $0x3  }
0x37: {  	[smem:$0x3FB8] =	sst s10  }
0x38: {  	s10 =	sld [smem:$0x3FB9]  }
0x39: {  	_ = 	snop;
	(pc) =	sbr.ind lr, $3  }
0x3a: {  	_ = 	snop  }
0x3b: {  	_ = 	snop  }
0x3c: {  	p2 =	seq.s32 s10, $0x1;
	s10 =	sld [smem:$0x3FB8]  }
0x3d: {  	_ =	shalt  }
0x3e: {  	_ =	shalt  }
0x3f: {  	_ =	shalt  }
0x40: {  	_ =	shalt  }
0x41: {  	_ =	shalt  }
0x42: {  	_ =	shalt  }
0x43: {  	_ =	shalt  }
0x44: {  	_ =	shalt  }
0x45: {  	_ =	shalt  }
0x46: {  	_ =	shalt  }
0x47: {  	_ =	shalt  }
0x48: {  	_ =	shalt  }
0x49: {  	_ =	shalt  }
0x4a: {  	_ =	shalt  }
0x4b: {  	_ =	shalt  }
0x4c: {  	_ =	shalt  }
0x4d: {  	_ =	shalt  }
0x4e: {  	_ =	shalt  }
0x4f: {  	_ =	shalt  }
0x50: {  	_ =	shalt  }
0x51: {  	_ =	shalt  }
0x52: {  	_ =	shalt  }
0x53: {  	_ =	shalt  }
0x54: {  	_ =	shalt  }
0x55: {  	_ =	shalt  }
0x56: {  	_ =	shalt  }
0x57: {  	_ =	shalt  }
0x58: {  	_ =	shalt  }
0x59: {  	_ =	shalt  }
0x5a: {  	_ =	shalt  }
0x5b: {  	_ =	shalt  }
0x5c: {  	_ =	shalt  }
0x5d: {  	_ =	shalt  }
0x5e: {  	_ =	shalt  }
0x5f: {  	_ =	shalt  }
0x60: {  	_ =	shalt  }
0x61: {  	_ =	shalt  }
0x62: {  	_ =	shalt  }
0x63: {  	_ =	shalt  }
0x64: {  	_ =	shalt  }
0x65: {  	_ =	shalt  }
0x66: {  	_ =	shalt  }
0x67: {  	_ =	shalt  }
0x68: {  	_ =	shalt  }
0x69: {  	_ =	shalt  }
0x6a: {  	_ =	shalt  }
0x6b: {  	_ =	shalt  }
0x6c: {  	_ =	shalt  }
0x6d: {  	_ =	shalt  }
0x6e: {  	_ =	shalt  }
0x6f: {  	_ =	shalt  }
0x70: {  	_ =	shalt  }
0x71: {  	_ =	shalt  }
0x72: {  	_ =	shalt  }
0x73: {  	_ =	shalt  }
0x74: {  	_ =	shalt  }
0x75: {  	_ =	shalt  }
0x76: {  	_ =	shalt  }
0x77: {  	_ =	shalt  }
0x78: {  	_ =	shalt  }
0x79: {  	_ =	shalt  }
0x7a: {  	_ =	shalt  }
0x7b: {  	_ =	shalt  }
0x7c: {  	_ =	shalt  }
0x7d: {  	_ =	shalt  }
0x7e: {  	_ =	shalt  }
0x7f: {  	_ =	shalt  }
0x80: {  	_ =	shalt  }
0x81: {  	_ =	shalt  }
0x82: {  	_ =	shalt  }
0x83: {  	_ =	shalt  }
0x84: {  	_ =	shalt  }
0x85: {  	_ =	shalt  }
0x86: {  	_ =	shalt  }
0x87: {  	_ =	shalt  }
.Lfunc_end0:
.L_simem_size_0:
called_computation_lowered:
.L_overlay_start_0:
0x88: {  	s2 =	sld [smem:$0x3FD9]  }
0x89: {  	s3 =	sld [smem:$0x3FFE];
	_ =	sdelay $0x1  }
0x8a: {  	s1 =	srdreg.scid  }
0x8b: {  	s0 =	sand.u32 $0x1, s1  }
0x8c: {  	s18 =	sshll.u32 s0, $0xA;
	s2 =	sadd.s32 s3, s2  }
0x8d: {  	s2 =	sadd.s32 s2, s18  }
0x8e: {  	[smem:$0x3FC4] =	sst s2  }
0x8f: {  	_ = 	snop  }
0x90: {  	s2 =	sld [smem:$0x3FC9]  }
0x91: {  	s19 =	sld [smem:$0x3FC8]  }
0x92: {  	s4 =	sld [smem:$0x3FC7]  }
0x93: {  	s5 =	sld [smem:$0x3FC6]  }
0x94: {  	s6 =	sld [smem:$0x3FD0];
	(tm) =	ssettm $0x1  }
0x95: {  	s7 =	sld [smem:$0x3FFB];
	_ =	sdelay $0x3  }
0x96: {  	_ =	strace s7  }
0x97: {  	s7 =	sld [smem:$0x3FFC];
	_ =	sdelay $0x3  }
0x98: {  	_ =	strace s7  }
0x99: {  	s7 =	sld [smem:$0x3FFD];
	_ =	sdelay $0x3  }
0x9a: {  	_ =	strace s7  }
0x9b: {  	_ =	strace $0x8FFFFFFF  }
0x9c: {  	s20 =	sld [smem:$0x3FDB];
	_ =	sdelay $0x1  }
0x9d: {  	s8 =	simm.s32 $_scs_section_size  }
0x9e: {  	s9 =	simm.s32 $_size__tile_overlayer_lowered;
	s10 =	simm.s32 $_tile_overlayer_lowered  }
0x9f: {  	s23 =	simm.s32 $0x1BFF;
	s22 =	sshll.u32 s10, $0x1;
	s7 =	sadd.s32 s8, s20  }
0xa0: {  	s11 =	simm.s32 $0x0;
	s21 =	sshll.u32 s9, $0x1;
	s9 =	sadd.s32 s22, s7  }
0xa1: {  	[timem:s11], [sflag:s23] =	dma.local [hbm:s9], s21  }
0xa2: {  	_ =	swait.ge [sflag:s23], s21  }
0xa3: {  	s8 =	ssub.s32 $0x0, s21;
	[sflag:s23] =	ssyncset.done $0x0  }
0xa4: {  	[sflag:s23] =	ssyncadd.s32 s8;
	_ =	sdelay $0x1  }
0xa5: {  	s24 =	simm.s32 $0x1B8B  }
0xa6: {  	_ =	swait.ge [sflag:s24], $0x1  }
0xa7: {  	[sflag:s24] =	ssyncset.done $0x0  }
0xa8: {  	s25 =	simm.s32 $0x1B8E;
	[sflag:s24] =	ssyncadd.s32 $0xFFFFFFFF  }
0xa9: {  	s26 =	simm.s32 $execute0_lowered;
	[smem:$0x3FD2] =	sst s25  }
0xaa: {  	s8 =	sshll.u32 s26, $0x1;
	_ =	strace $0x80000046;
	[dreg:$0x1] =	wrdreg $0xFFFFFFFF  }
0xab: {  	s28 =	simm.s32 $_size_execute0_lowered;
	s7 =	sadd.s32 s7, s8;
	[dreg:$0x0] =	wrdreg $0x0  }
0xac: {  	s8 =	sshll.u32 s28, $0x1;
	[dreg:$0x2] =	wrdreg s7  }
0xad: {  	[dreg:$0x3] =	wrdreg s8  }
0xae: {  	[dreg:$0x4] =	wrdreg $0xC0  }
0xaf: {  	_ =	task [dreg:s11], $0x5FFFF  }
0xb0: {  	[dreg:$0x1] =	wrdreg $0xFFFFFFFF  }
0xb1: {  	[dreg:$0x0] =	wrdreg $0x60  }
0xb2: {  	[dreg:$0x2] =	wrdreg s2  }
0xb3: {  	[dreg:$0x3] =	wrdreg s19  }
0xb4: {  	[dreg:$0x4] =	wrdreg s4  }
0xb5: {  	[dreg:$0x5] =	wrdreg s5  }
0xb6: {  	[dreg:$0x6] =	wrdreg s6  }
0xb7: {  	[dreg:$0x7] =	wrdreg $0x9  }
0xb8: {  	_ =	task.clear_ibuf [dreg:s11], $0x8FFFF;
	_ =	strace $0x90000046  }
0xb9: {  	s29 =	simm.s32 $0x9;
	_ =	strace $0x80000048  }
0xba: {  	_ =	swait.ge [sflag:s29], $0x1  }
0xbb: {  	[sflag:s29] =	ssyncadd.s32 $0xFFFFFFFF  }
0xbc: {  	_ =	strace $0x90000048  }
0xbd: {  	_ =	sfence  }
0xbe: {  	s30 =	sld [smem:$0x0];
	_ =	sdelay $0x2  }
0xbf: {  	s31 =	sshll.u32 s1, $0xD;
	s1 =	sshrl.u32 s1, $0x2  }
0xc0: {  	s3 =	sand.u32 $0x4000, s31;
	s1 =	sadd.s32 s1, s30  }
0xc1: {  	s0 =	sor.u32 s3, s0;
	s1 =	sshll.u32 s1, $0x11  }
0xc2: {  	s0 =	sor.u32 s1, s0  }
0xc3: {  	s0 =	sadd.s32 $0x8F2B, s0  }
0xc4: {  	[sflag:s0] =	ssyncadd.remote.s32 $0x1  }
0xc5: {  	_ =	sfence.sel $0xFFFF  }
0xc6: {  	[dreg:$0x0] =	wrdreg $0xFFFFFFFF;
	(pc) =	sbr.abs _section_cstart, $3  }
0xc7: {  	[dreg:$0x1] =	wrdreg $0xFFFFFFFF  }
0xc8: {  	_ =	task.clear_ibuf [dreg:s11], $0x2FFFF;
	_ =	strace $0x9FFFFFFF  }
0xc9: {  	(tm) =	ssettm $0x7FFFFFFF  }
tec
execute0_lowered:
.L_overlay_start_1:
0x0: {  	(tag) =	ssettag $0x1  }
0x1: {  	s0 =	rddreg [dreg:$0x0]  }
0x2: {  	s1 =	rddreg [dreg:$0x1]  }
0x3: {  	s11 =	rddreg [dreg:$0x2]  }
0x4: {  	s9 =	rddreg [dreg:$0x3]  }
0x5: {  	s2 =	rddreg [dreg:$0x4]  }
0x6: {  	s5 =	simm.s32 $0x0;
	s3 =	srdreg.scid;
	s4 =	stileid.u32  }
0x7: {  	s28 =	simm.s32 $0x2;
	s3 =	sand.u32 $0x1, s3;
	s4 =	sshll.u32 s4, $0x1  }
0x8: {  	s30 =	simm.s32 $0x7280;
	s6 =	ssub.s32 $0x2, s3;
	s3 =	sor.u32 s3, s4  }
0x9: {  	s31 =	simm.s32 $0x3;
	[smem:$0x7FF] =	sst s5;
	s7 =	smul.u32 $0x138, s3  }
0xa: {  	s12 =	simm.s32 $0x8;
	_ =	strace $0x80000047;
	s16 =	smul.u32 $0x13800, s3  }
0xb: {  	s14 =	sshrl.u32 s6, $0x1;
	s8 =	sshll.u32 s3, $0x4;
	s18 =	smul.u32 $0x2700, s3  }
0xc: {  	s10 =	sshll.u32 s3, $0x5;
	s3 =	sshll.u32 s3, $0xC;
	s4 =	ssub.s32 s6, s14  }
0xd: {  	s15 =	sadd.s32 s9, s8;
	s19 =	smin.u32 s10, $0x3C8;
	s10 =	simm.s32 $0xC  }
0xe: {  	[dreg:$0x6] =	wrdreg s15;
	s17 =	sshrl.u32 s7, $0x3;
	s6 =	sshrl.u32 s16, $0x3  }
0xf: {  	s9 =	sadd.s32 s1, s18;
	s25 =	sadd.s32 $0x148, s7;
	v0 =	vmov s7;
	s7 =	simm.s32 $0x5  }
0x10: {  	s8 =	sadd.s32 s11, s17;
	[dreg:$0x8] =	wrdreg s9;
	s20 =	sadd.s32 s1, s6  }
0x11: {  	s24 =	sadd.s32 s2, s6;
	s9 =	simm.s32 $0x6;
	s11 =	simm.s32 $0xF  }
0x12: {  	v1 =	vmov s25;
	s25 =	simm.s32 $0x0;
	[dreg:$0x7] =	wrdreg s8;
	s8 =	sshll.u32 s19, $0x5  }
0x13: {  	s21 =	sadd.s32 $0xB00, s20;
	s22 =	sadd.s32 $0x1500, s20;
	s6 =	sadd.s32 $0x27D00, s24  }
0x14: {  	s26 =	sadd.s32 $0x1F00, s20;
	s16 =	sadd.s32 $0x28800, s24;
	s18 =	sadd.s32 $0x29200, s24  }
0x15: {  	s19 =	sadd.s32 $0x29C00, s24;
	s20 =	smax.u32 s4, $0x1;
	[dreg:$0x9] =	wrdreg s21  }
0x16: {  	s4 =	simm.s32 $0xD;
	s24 =	simm.s32 $0x9;
	[dreg:$0xa] =	wrdreg s22  }
0x17: {  	s0 =	sadd.s32 s0, s8;
	s23 =	sadd.s32 s2, s8;
	[dreg:$0xd] =	wrdreg s6  }
0x18: {  	s2 =	sadd.s32 s2, s3;
	[dreg:$0xe] =	wrdreg s26;
	s3 =	simm.s32 $0x1  }
0x19: {  	s22 =	simm.s32 $0xB280;
	s6 =	simm.s32 $0x7;
	[dreg:$0xb] =	wrdreg s0  }
0x1a: {  	v4 =	vlaneseq.u32;
	vm0 =	vmmov $0xffff;
	s8 =	simm.s32 $0xB;
	s21 =	simm.s32 $0xE;
	[dreg:$0xc] =	wrdreg s23  }
0x1b: {  	v5 =	vimm.s32 $0x0;
	v6 =	vimm.s32 $0x1;
	v3 =	vshrl.u32 v4, $0x3;
	s29 =	sadd.s32 $0x7D00, s2;
	s17 =	sadd.s32 $0x8500, s2;
	s23 =	simm.s32 $0xB500  }
0x1c: {  	v2 =	vand.u32 $0x7, v4;
	v4 =	vor.u32 $0x8, v4;
	v3 =	vmul.u32 $0x8, v3;
	s2 =	simm.s32 $0x4;
	s0 =	simm.s32 $0xA;
	[dreg:$0xf] =	wrdreg s29  }
.LBB2_1:
0x1d: {  	s13 =	rddreg [dreg:$0x6];
	s14 =	simm.s32 $0x1000  }
0x1e: {  	[tilespmem:s14], [sflag:$0x2] =	stream.linear.gather [hbm4b:s13+s5], $0x80, $0x38;
	[tilespmem:$0x1BD00] =	vst v63  }
0x1f: {  	s26 =	rddreg [dreg:$0x3]  }
0x20: {  	[tilespmem:s5], [sflag:$0x1] =	stream.linear.gather [hbm4b:s26+s5], $0x1000, $0x38;
	[tilespmem:$0x1BD00] =	vst v63  }
0x21: {  	s29 =	rddreg [dreg:$0x7];
	s15 =	simm.s32 $0x1080  }
0x22: {  	[tilespmem:s15], [sflag:$0x3] =	stream.linear.gather [hbm4b:s29+s5], $0x148, $0x38;
	[tilespmem:$0x1BD00] =	vst v63  }
0x23: {  	s15 =	rddreg [dreg:$0x8]  }
0x24: {  	[tilespmem:s23], [sflag:$0xA] =	stream.linear.gather [hbm4b:s15+s5], $0x5800, $0x38;
	[tilespmem:$0x1BD00] =	vst v63  }
0x25: {  	s26 =	rddreg [dreg:$0x9];
	s29 =	simm.s32 $0x10D00  }
0x26: {  	[tilespmem:s29], [sflag:$0xB] =	stream.linear.gather [hbm4b:s26+s5], $0x5000, $0x38;
	[tilespmem:$0x1BD00] =	vst v63  }
0x27: {  	s15 =	rddreg [dreg:$0xa];
	s26 =	simm.s32 $0x16500  }
0x28: {  	[tilespmem:s26], [sflag:$0xC] =	stream.linear.gather [hbm4b:s15+s5], $0x5000, $0x38;
	[tilespmem:$0x1BD00] =	vst v63  }
0x29: {  	s29 =	rddreg [dreg:$0xb];
	s15 =	simm.s32 $0x1280  }
0x2a: {  	[tilespmem:s15], [sflag:$0x4] =	stream.linear.gather [hbm4b:s29+s5], $0x2000, $0x38;
	[tilespmem:$0x1BD00] =	vst v63  }
0x2b: {  	_ =	swait.ge [sflag:s28], $0x80  }
0x2c: {  	[sflag:s28] =	ssyncset.done $0x0  }
0x2d: {  	[sflag:s28] =	ssyncadd.s32 $0xFFFFFF80  }
0x2e: {  	v7 =	vld [tilespmem:$0x1000];
	_ =	sdelay $0x4  }
0x2f: {  	v8 =	vshll.u32 v7, $0x1  }
0x30: {  	v7 =	vand.u32 $0x7, v7;
	v8 =	vand.u32 $0xFFFFFFF0, v8  }
0x31: {  	v7 =	vor.u32 v7, v8  }
0x32: {  	v8 =	vperm.xlane v7, v2;
	_ =	sdelay $0x1  }
0x33: {  	v7 =	vperm.xlane v7, v4;
	v8 =	vadd.s32 v3, v8;
	_ =	sdelay $0x1  }
0x34: {  	v7 =	vadd.s32 v3, v7;
	_ =	sdelay $0x1  }
0x35: {  	s26 =	simm.s32 $0x3280  }
0x36: {  	[tilespmem:s26], [sflag:$0x5] =	stream.indirect_vreg.gather [hbm4b:s1+s5], $0x80, v8, vm0, $0xb8;
	[tilespmem:$0x1BD00] =	vst v63  }
0x37: {  	s29 =	simm.s32 $0x3A80  }
0x38: {  	[tilespmem:s29], [sflag:$0x5] =	stream.indirect_vreg.gather [hbm4b:s1+s5], $0x80, v7, vm0, $0xb8;
	[tilespmem:$0x1BD00] =	vst v63  }
0x39: {  	v7 =	vld [tilespmem:$0x1010];
	_ =	sdelay $0x4  }
0x3a: {  	v8 =	vshll.u32 v7, $0x1  }
0x3b: {  	v7 =	vand.u32 $0x7, v7;
	v8 =	vand.u32 $0xFFFFFFF0, v8  }
0x3c: {  	v7 =	vor.u32 v7, v8  }
0x3d: {  	v8 =	vperm.xlane v7, v2;
	_ =	sdelay $0x1  }
0x3e: {  	v7 =	vperm.xlane v7, v4;
	v8 =	vadd.s32 v3, v8;
	_ =	sdelay $0x1  }
0x3f: {  	v7 =	vadd.s32 v3, v7;
	_ =	sdelay $0x1  }
0x40: {  	s26 =	simm.s32 $0x4280  }
0x41: {  	[tilespmem:s26], [sflag:$0x5] =	stream.indirect_vreg.gather [hbm4b:s1+s5], $0x80, v8, vm0, $0xb8;
	[tilespmem:$0x1BD00] =	vst v63  }
0x42: {  	s29 =	simm.s32 $0x4A80  }
0x43: {  	[tilespmem:s29], [sflag:$0x5] =	stream.indirect_vreg.gather [hbm4b:s1+s5], $0x80, v7, vm0, $0xb8;
	[tilespmem:$0x1BD00] =	vst v63  }
0x44: {  	v7 =	vld [tilespmem:$0x1020];
	_ =	sdelay $0x4  }
0x45: {  	v8 =	vshll.u32 v7, $0x1  }
0x46: {  	v7 =	vand.u32 $0x7, v7;
	v8 =	vand.u32 $0xFFFFFFF0, v8  }
0x47: {  	v7 =	vor.u32 v7, v8  }
0x48: {  	v8 =	vperm.xlane v7, v2;
	_ =	sdelay $0x1  }
0x49: {  	v7 =	vperm.xlane v7, v4;
	v8 =	vadd.s32 v3, v8;
	_ =	sdelay $0x1  }
0x4a: {  	v7 =	vadd.s32 v3, v7;
	_ =	sdelay $0x1  }
0x4b: {  	s26 =	simm.s32 $0x5280  }
0x4c: {  	[tilespmem:s26], [sflag:$0x5] =	stream.indirect_vreg.gather [hbm4b:s1+s5], $0x80, v8, vm0, $0xb8;
	[tilespmem:$0x1BD00] =	vst v63  }
0x4d: {  	s29 =	simm.s32 $0x5A80  }
0x4e: {  	[tilespmem:s29], [sflag:$0x5] =	stream.indirect_vreg.gather [hbm4b:s1+s5], $0x80, v7, vm0, $0xb8;
	[tilespmem:$0x1BD00] =	vst v63  }
0x4f: {  	v7 =	vld [tilespmem:$0x1030];
	_ =	sdelay $0x4  }
0x50: {  	v8 =	vshll.u32 v7, $0x1  }
0x51: {  	v7 =	vand.u32 $0x7, v7;
	v8 =	vand.u32 $0xFFFFFFF0, v8  }
0x52: {  	v7 =	vor.u32 v7, v8  }
0x53: {  	v8 =	vperm.xlane v7, v2;
	_ =	sdelay $0x1  }
0x54: {  	v7 =	vperm.xlane v7, v4;
	v8 =	vadd.s32 v3, v8;
	_ =	sdelay $0x1  }
0x55: {  	v7 =	vadd.s32 v3, v7;
	_ =	sdelay $0x1  }
0x56: {  	s26 =	simm.s32 $0x6280  }
0x57: {  	[tilespmem:s26], [sflag:$0x5] =	stream.indirect_vreg.gather [hbm4b:s1+s5], $0x80, v8, vm0, $0xb8;
	[tilespmem:$0x1BD00] =	vst v63  }
0x58: {  	s29 =	simm.s32 $0x6A80  }
0x59: {  	[tilespmem:s29], [sflag:$0x5] =	stream.indirect_vreg.gather [hbm4b:s1+s5], $0x80, v7, vm0, $0xb8;
	[tilespmem:$0x1BD00] =	vst v63  }
0x5a: {  	v7 =	vld [tilespmem:$0x1040];
	_ =	sdelay $0x4  }
0x5b: {  	v8 =	vshll.u32 v7, $0x1  }
0x5c: {  	v7 =	vand.u32 $0x7, v7;
	v8 =	vand.u32 $0xFFFFFFF0, v8  }
0x5d: {  	v7 =	vor.u32 v7, v8  }
0x5e: {  	v8 =	vperm.xlane v7, v2;
	_ =	sdelay $0x1  }
0x5f: {  	v7 =	vperm.xlane v7, v4;
	v8 =	vadd.s32 v3, v8;
	_ =	sdelay $0x1  }
0x60: {  	v7 =	vadd.s32 v3, v7;
	_ =	sdelay $0x2  }
0x61: {  	[tilespmem:s30], [sflag:$0x6] =	stream.indirect_vreg.gather [hbm4b:s1+s5], $0x80, v8, vm0, $0xb8;
	[tilespmem:$0x1BD00] =	vst v63  }
0x62: {  	s26 =	simm.s32 $0x7A80  }
0x63: {  	[tilespmem:s26], [sflag:$0x6] =	stream.indirect_vreg.gather [hbm4b:s1+s5], $0x80, v7, vm0, $0xb8;
	[tilespmem:$0x1BD00] =	vst v63  }
0x64: {  	v7 =	vld [tilespmem:$0x1050];
	_ =	sdelay $0x4  }
0x65: {  	v8 =	vshll.u32 v7, $0x1  }
0x66: {  	v7 =	vand.u32 $0x7, v7;
	v8 =	vand.u32 $0xFFFFFFF0, v8  }
0x67: {  	v7 =	vor.u32 v7, v8  }
0x68: {  	v8 =	vperm.xlane v7, v2;
	_ =	sdelay $0x1  }
0x69: {  	v7 =	vperm.xlane v7, v4;
	v8 =	vadd.s32 v3, v8;
	_ =	sdelay $0x1  }
0x6a: {  	v7 =	vadd.s32 v3, v7;
	_ =	sdelay $0x1  }
0x6b: {  	s29 =	simm.s32 $0x8280  }
0x6c: {  	[tilespmem:s29], [sflag:$0x6] =	stream.indirect_vreg.gather [hbm4b:s1+s5], $0x80, v8, vm0, $0xb8;
	[tilespmem:$0x1BD00] =	vst v63  }
0x6d: {  	s26 =	simm.s32 $0x8A80  }
0x6e: {  	[tilespmem:s26], [sflag:$0x6] =	stream.indirect_vreg.gather [hbm4b:s1+s5], $0x80, v7, vm0, $0xb8;
	[tilespmem:$0x1BD00] =	vst v63  }
0x6f: {  	v7 =	vld [tilespmem:$0x1060];
	_ =	sdelay $0x4  }
0x70: {  	v8 =	vshll.u32 v7, $0x1  }
0x71: {  	v7 =	vand.u32 $0x7, v7;
	v8 =	vand.u32 $0xFFFFFFF0, v8  }
0x72: {  	v7 =	vor.u32 v7, v8  }
0x73: {  	v8 =	vperm.xlane v7, v2;
	_ =	sdelay $0x1  }
0x74: {  	v7 =	vperm.xlane v7, v4;
	v8 =	vadd.s32 v3, v8;
	_ =	sdelay $0x1  }
0x75: {  	v7 =	vadd.s32 v3, v7;
	_ =	sdelay $0x1  }
0x76: {  	s29 =	simm.s32 $0x9280  }
0x77: {  	[tilespmem:s29], [sflag:$0x6] =	stream.indirect_vreg.gather [hbm4b:s1+s5], $0x80, v8, vm0, $0xb8;
	[tilespmem:$0x1BD00] =	vst v63  }
0x78: {  	s26 =	simm.s32 $0x9A80  }
0x79: {  	[tilespmem:s26], [sflag:$0x6] =	stream.indirect_vreg.gather [hbm4b:s1+s5], $0x80, v7, vm0, $0xb8;
	[tilespmem:$0x1BD00] =	vst v63  }
0x7a: {  	v7 =	vld [tilespmem:$0x1070];
	_ =	sdelay $0x4  }
0x7b: {  	v8 =	vshll.u32 v7, $0x1  }
0x7c: {  	v7 =	vand.u32 $0x7, v7;
	v8 =	vand.u32 $0xFFFFFFF0, v8  }
0x7d: {  	v7 =	vor.u32 v7, v8  }
0x7e: {  	v8 =	vperm.xlane v7, v2;
	_ =	sdelay $0x1  }
0x7f: {  	v7 =	vperm.xlane v7, v4;
	v8 =	vadd.s32 v3, v8;
	_ =	sdelay $0x1  }
0x80: {  	v7 =	vadd.s32 v3, v7;
	_ =	sdelay $0x1  }
0x81: {  	s29 =	simm.s32 $0xA280  }
0x82: {  	[tilespmem:s29], [sflag:$0x6] =	stream.indirect_vreg.gather [hbm4b:s1+s5], $0x80, v8, vm0, $0xb8;
	[tilespmem:$0x1BD00] =	vst v63  }
0x83: {  	s26 =	simm.s32 $0xAA80  }
0x84: {  	[tilespmem:s26], [sflag:$0x6] =	stream.indirect_vreg.gather [hbm4b:s1+s5], $0x80, v7, vm0, $0xb8;
	[tilespmem:$0x1BD00] =	vst v63  }
0x85: {  	s13 =	rddreg [dreg:$0x2];
	s29 =	simm.s32 $0x1200;
	s26 =	simm.s32 $0x80  }
0x86: {  	[tilespmem:s29], [sflag:$0x7] =	stream.indirect.gather [hbm4b:s13+s26], $0x1, s14, s26, $0xb8;
	[tilespmem:$0x1BD00] =	vst v63  }
0x87: {  	_ =	swait.ge [sflag:s2], $0x2000  }
0x88: {  	[sflag:s2] =	ssyncset.done $0x0  }
0x89: {  	s29 =	rddreg [dreg:$0xc];
	[sflag:s2] =	ssyncadd.s32 $0xFFFFE000  }
0x8a: {  	[hbm4b:s29+s5] =	stream.linear.scatter [tilespmem:s15], [sflag:$0x4], $0x2000, $0x38;
	[tilespmem:$0x1BD00] =	vst v63  }
0x8b: {  	_ =	swait.ge [sflag:s3], $0x1000  }
0x8c: {  	[sflag:s3] =	ssyncset.done $0x0  }
0x8d: {  	[sflag:s3] =	ssyncadd.s32 $0xFFFFF000  }
0x8e: {  	[tilespmem:$0xB280] =	vst v5  }
0x8f: {  	[tilespmem:$0xB290] =	vst v5  }
0x90: {  	[tilespmem:$0xB2A0] =	vst v5  }
0x91: {  	[tilespmem:$0xB2B0] =	vst v5  }
0x92: {  	[tilespmem:$0xB2C0] =	vst v5  }
0x93: {  	[tilespmem:$0xB2D0] =	vst v5  }
0x94: {  	[tilespmem:$0xB2E0] =	vst v5  }
0x95: {  	[tilespmem:$0xB2F0] =	vst v5  }
0x96: {  	[tilespmem:$0xB300] =	vst v5  }
0x97: {  	[tilespmem:$0xB310] =	vst v5  }
0x98: {  	[tilespmem:$0xB320] =	vst v5  }
0x99: {  	[tilespmem:$0xB330] =	vst v5  }
0x9a: {  	[tilespmem:$0xB340] =	vst v5  }
0x9b: {  	[tilespmem:$0xB350] =	vst v5  }
0x9c: {  	[tilespmem:$0xB360] =	vst v5  }
0x9d: {  	[tilespmem:$0xB370] =	vst v5  }
0x9e: {  	[tilespmem:$0xB380] =	vst v5  }
0x9f: {  	[tilespmem:$0xB390] =	vst v5  }
0xa0: {  	[tilespmem:$0xB3A0] =	vst v5  }
0xa1: {  	[tilespmem:$0xB3B0] =	vst v5  }
0xa2: {  	[tilespmem:$0xB3C0] =	vst v5  }
0xa3: {  	s13 =	simm.s32 $0x0;
	[tilespmem:$0xB3D0] =	vst v5  }
.LBB2_2:
0xa4: {  	s26 =	sshra.s32 s13, $0x2  }
0xa5: {  	v7 =	vld [tilespmem:s26+$0x0];
	_ =	sdelay $0x4  }
0xa6: {  	vm1 =	vge.s32 v7, v0;
	vm2 =	vlt.s32 v7, v1  }
0xa7: {  	v7 =	vsub.s32 v7, v0;
	vm1 =	vmand vm1, vm2  }
0xa8: {  	v7 =	vnsel vm1, $0x0, v7;
	_ =	sdelay $0x4  }
0xa9: {  	[tilespmem:v7+s22+$0x0] =	vst.idx.msk vm1, v6  }
0xaa: {  	v7 =	vld [tilespmem:s26+$0x10];
	_ =	sdelay $0x4  }
0xab: {  	vm1 =	vge.s32 v7, v0;
	vm2 =	vlt.s32 v7, v1  }
0xac: {  	v7 =	vsub.s32 v7, v0;
	vm1 =	vmand vm1, vm2  }
0xad: {  	p0 =	sne.s32 s13, $0x3F80;
	v7 =	vnsel vm1, $0x0, v7  }
.Ltmp0:
0xae: {  	_ = 	snop;
	(pc) =	sbr.rel @p0 .LBB2_2-.Ltmp0, $2  }
0xaf: {  	_ =	sdelay $0x2  }
0xb0: {  	s13 =	sadd.s32 $0x80, s13;
	[tilespmem:v7+s22+$0x0] =	vst.idx.msk vm1, v6  }
0xb1: {  	_ =	swait.ge [sflag:s31], $0x148  }
0xb2: {  	[sflag:s31] =	ssyncset.done $0x0  }
0xb3: {  	s13 =	simm.s32 $0x0;
	[sflag:s31] =	ssyncadd.s32 $0xFFFFFEB8  }
0xb4: {  	s26 =	simm.s32 $0x40;
	v7 =	vld [tilespmem:s13+$0x1080]  }
.LBB2_4:
0xb5: {  	p0 =	sne.s32 s26, $0x500;
	v8 =	vld [tilespmem:s13+$0xB280];
	_ =	sdelay $0x3  }
.Ltmp1:
0xb6: {  	(pc) =	sbr.rel @p0 .LBB2_4-.Ltmp1, $4  }
0xb7: {  	vm2 =	vgt.f32 v7, $5.000000000e+00;
	vm1 =	vgt.s32 v8, $0x0  }
0xb8: {  	vm1 =	vmand vm1, vm2  }
0xb9: {  	s29 =	sshra.s32 s26, $0x2;
	v8 =	vsel vm1, $0x1, v5  }
0xba: {  	s26 =	sadd.s32 $0x40, s26;
	v7 =	vld [tilespmem:s29+$0x1080];
	[tilespmem:s13+$0xB280] =	vst v8;
	s13 =	smov.u32 s29  }
0xbb: {  	v8 =	vld [tilespmem:s13+$0xB280];
	_ =	sdelay $0x4  }
0xbc: {  	vm2 =	vgt.f32 v7, $5.000000000e+00;
	vm1 =	vgt.s32 v8, $0x0  }
0xbd: {  	vm1 =	vmand vm1, vm2  }
0xbe: {  	v7 =	vsel vm1, $0x1, v5  }
0xbf: {  	[tilespmem:s13+$0xB280] =	vst v7  }
0xc0: {  	_ =	swait.ge [sflag:s0], $0x5800  }
0xc1: {  	[sflag:s0] =	ssyncset.done $0x0  }
0xc2: {  	s14 =	simm.s32 $0xB280;
	[sflag:s0] =	ssyncadd.s32 $0xFFFFA800  }
0xc3: {  	v7 =	vld [tilespmem:s14+$0x0];
	_ =	sdelay $0x4  }
0xc4: {  	(v2sf) =	vpush v7, $0x0;
	_ =	sdelay $0xe  }
0xc5: {  	s15 =	spop (v2sf)  }
0xc6: {  	s26 =	simm.s32 $0x0;
	p0 =	slt.s32 s15, $0x1  }
0xc7: {  	s13 =	sand.u32 @!p0 $0x7800, s26;
	s29 =	sand.u32 @!p0 $0x380, s26  }
0xc8: {  	v7 =	vimm.f32 @!p0 $0.0e+00;
	s29 =	sor.u32 @!p0 s29, s13  }
0xc9: {  	[tilespmem:s29+$0xB500] =	vst @!p0 v7  }
0xca: {  	[tilespmem:s29+$0xB510] =	vst @!p0 v7  }
0xcb: {  	[tilespmem:s29+$0xB520] =	vst @!p0 v7  }
0xcc: {  	[tilespmem:s29+$0xB530] =	vst @!p0 v7  }
0xcd: {  	[tilespmem:s29+$0xB540] =	vst @!p0 v7  }
0xce: {  	[tilespmem:s29+$0xB550] =	vst @!p0 v7  }
0xcf: {  	[tilespmem:s29+$0xB560] =	vst @!p0 v7  }
0xd0: {  	[tilespmem:s29+$0xB570] =	vst @!p0 v7  }
0xd1: {  	[tilespmem:s29+$0xB900] =	vst @!p0 v7  }
0xd2: {  	[tilespmem:s29+$0xB910] =	vst @!p0 v7  }
0xd3: {  	[tilespmem:s29+$0xB920] =	vst @!p0 v7  }
0xd4: {  	[tilespmem:s29+$0xB930] =	vst @!p0 v7  }
0xd5: {  	[tilespmem:s29+$0xB940] =	vst @!p0 v7  }
0xd6: {  	[tilespmem:s29+$0xB950] =	vst @!p0 v7  }
0xd7: {  	[tilespmem:s29+$0xB960] =	vst @!p0 v7  }
0xd8: {  	s13 =	simm.s32 $0x100;
	[tilespmem:s29+$0xB970] =	vst @!p0 v7;
	s29 =	simm.s32 $0xB281  }
.LBB2_6:
0xd9: {  	v7 =	vld [tilespmem:s29+$0x0];
	s14 =	smov.u32 s13;
	s13 =	sadd.s32 $0x100, s13  }
0xda: {  	p0 =	sne.s32 s13, $0x5800;
	_ =	sdelay $0x3  }
0xdb: {  	(v2sf) =	vpush v7, $0x0;
	_ =	sdelay $0xe  }
0xdc: {  	s15 =	spop (v2sf)  }
0xdd: {  	s26 =	sadd.s32 $0x80, s26;
	p1 =	slt.s32 s15, $0x1  }
0xde: {  	s14 =	sand.u32 @!p1 $0x7800, s14;
	s15 =	sand.u32 @!p1 $0x380, s26  }
0xdf: {  	v7 =	vimm.f32 @!p1 $0.0e+00;
	s14 =	sor.u32 @!p1 s15, s14  }
0xe0: {  	[tilespmem:s14+$0xB500] =	vst @!p1 v7  }
0xe1: {  	[tilespmem:s14+$0xB510] =	vst @!p1 v7  }
0xe2: {  	[tilespmem:s14+$0xB520] =	vst @!p1 v7  }
0xe3: {  	[tilespmem:s14+$0xB530] =	vst @!p1 v7  }
0xe4: {  	[tilespmem:s14+$0xB540] =	vst @!p1 v7  }
0xe5: {  	[tilespmem:s14+$0xB550] =	vst @!p1 v7  }
0xe6: {  	[tilespmem:s14+$0xB560] =	vst @!p1 v7  }
0xe7: {  	[tilespmem:s14+$0xB570] =	vst @!p1 v7  }
0xe8: {  	[tilespmem:s14+$0xB900] =	vst @!p1 v7  }
0xe9: {  	[tilespmem:s14+$0xB910] =	vst @!p1 v7  }
0xea: {  	[tilespmem:s14+$0xB920] =	vst @!p1 v7  }
.Ltmp2:
0xeb: {  	[tilespmem:s14+$0xB930] =	vst @!p1 v7;
	(pc) =	sbr.rel @p0 .LBB2_6-.Ltmp2, $4  }
0xec: {  	[tilespmem:s14+$0xB940] =	vst @!p1 v7  }
0xed: {  	[tilespmem:s14+$0xB950] =	vst @!p1 v7  }
0xee: {  	[tilespmem:s14+$0xB960] =	vst @!p1 v7  }
0xef: {  	s29 =	sadd.s32 $0x1, s29;
	[tilespmem:s14+$0xB970] =	vst @!p1 v7  }
0xf0: {  	s26 =	simm.s32 $0x0;
	s13 =	rddreg [dreg:$0xd]  }
0xf1: {  	[hbm4b:s13+s26] =	stream.linear.scatter [tilespmem:s23], [sflag:$0xD], $0x5800, $0x38;
	[tilespmem:$0x1BD00] =	vst v63  }
0xf2: {  	_ =	swait.ge [sflag:s4], $0x5800  }
0xf3: {  	[sflag:s4] =	ssyncset.done $0x0  }
0xf4: {  	s15 =	rddreg [dreg:$0xe];
	[sflag:s4] =	ssyncadd.s32 $0xFFFFA800  }
0xf5: {  	[tilespmem:s23], [sflag:$0xA] =	stream.linear.gather [hbm4b:s15+s26], $0x5000, $0x38;
	[tilespmem:$0x1BD00] =	vst v63  }
0xf6: {  	_ =	swait.ge [sflag:s6], $0x80  }
0xf7: {  	[sflag:s6] =	ssyncset.done $0x0  }
0xf8: {  	[sflag:s6] =	ssyncadd.s32 $0xFFFFFF80  }
0xf9: {  	v7 =	vld [tilespmem:$0x1200]  }
0xfa: {  	v8 =	vld [tilespmem:$0x1210]  }
0xfb: {  	v9 =	vld [tilespmem:$0x1220]  }
0xfc: {  	v10 =	vld [tilespmem:$0x1230]  }
0xfd: {  	v11 =	vld [tilespmem:$0x1240]  }
0xfe: {  	vm1 =	vgt.f32 v7, $5.000000000e+00;
	v7 =	vld [tilespmem:$0x1250]  }
0xff: {  	vm2 =	vgt.f32 v8, $5.000000000e+00;
	v8 =	vld [tilespmem:$0x1260];
	vm1 =	vmneg vm1  }
0x100: {  	v60 =	vld [tilespmem:$0x1270];
	v12 =	vsel vm1, $0x1, v5;
	vm1 =	vmneg vm2;
	vm2 =	vgt.f32 v9, $5.000000000e+00  }
0x101: {  	[tilespmem:$0xB400] =	vst v12;
	v61 =	vsel vm1, $0x1, v5;
	vm1 =	vgt.f32 v10, $5.000000000e+00;
	vm2 =	vmneg vm2  }
0x102: {  	[tilespmem:$0xB410] =	vst v61;
	v62 =	vsel vm2, $0x1, v5;
	vm2 =	vgt.f32 v11, $5.000000000e+00;
	vm1 =	vmneg vm1  }
0x103: {  	[tilespmem:$0xB420] =	vst v62;
	v63 =	vsel vm1, $0x1, v5;
	vm1 =	vgt.f32 v7, $5.000000000e+00;
	vm2 =	vmneg vm2  }
0x104: {  	[tilespmem:$0xB430] =	vst v63;
	v7 =	vsel vm2, $0x1, v5;
	vm2 =	vgt.f32 v8, $5.000000000e+00;
	vm1 =	vmneg vm1  }
0x105: {  	[tilespmem:$0xB440] =	vst v7;
	v7 =	vsel vm1, $0x1, v5;
	vm1 =	vmneg vm2;
	vm2 =	vgt.f32 v60, $5.000000000e+00  }
0x106: {  	v8 =	vsel vm1, $0x1, v5;
	[tilespmem:$0xB450] =	vst v7;
	vm1 =	vmneg vm2  }
0x107: {  	[tilespmem:$0xB460] =	vst v8;
	v7 =	vsel vm1, $0x1, v5  }
0x108: {  	[tilespmem:$0xB470] =	vst v7  }
0x109: {  	_ =	swait.ge [sflag:s7], $0x4000  }
0x10a: {  	[sflag:s7] =	ssyncset.done $0x0  }
0x10b: {  	s14 =	simm.s32 $0xB400;
	[sflag:s7] =	ssyncadd.s32 $0xFFFFC000  }
0x10c: {  	v7 =	vld [tilespmem:s14+$0x0];
	_ =	sdelay $0x4  }
0x10d: {  	(v2sf) =	vpush v7, $0x0;
	_ =	sdelay $0xe  }
0x10e: {  	s15 =	spop (v2sf)  }
0x10f: {  	p0 =	slt.s32 s15, $0x1  }
0x110: {  	s13 =	sand.u32 @!p0 $0x3800, s26;
	s14 =	sand.u32 @!p0 $0x380, s26  }
0x111: {  	v7 =	vimm.f32 @!p0 $0.0e+00;
	s14 =	sor.u32 @!p0 s14, s13  }
0x112: {  	[tilespmem:s14+$0x3280] =	vst @!p0 v7  }
0x113: {  	[tilespmem:s14+$0x3290] =	vst @!p0 v7  }
0x114: {  	[tilespmem:s14+$0x32A0] =	vst @!p0 v7  }
0x115: {  	[tilespmem:s14+$0x32B0] =	vst @!p0 v7  }
0x116: {  	[tilespmem:s14+$0x32C0] =	vst @!p0 v7  }
0x117: {  	[tilespmem:s14+$0x32D0] =	vst @!p0 v7  }
0x118: {  	[tilespmem:s14+$0x32E0] =	vst @!p0 v7  }
0x119: {  	[tilespmem:s14+$0x32F0] =	vst @!p0 v7  }
0x11a: {  	[tilespmem:s14+$0x3680] =	vst @!p0 v7  }
0x11b: {  	[tilespmem:s14+$0x3690] =	vst @!p0 v7  }
0x11c: {  	[tilespmem:s14+$0x36A0] =	vst @!p0 v7  }
0x11d: {  	[tilespmem:s14+$0x36B0] =	vst @!p0 v7  }
0x11e: {  	[tilespmem:s14+$0x36C0] =	vst @!p0 v7  }
0x11f: {  	[tilespmem:s14+$0x36D0] =	vst @!p0 v7  }
0x120: {  	[tilespmem:s14+$0x36E0] =	vst @!p0 v7  }
0x121: {  	s29 =	simm.s32 $0xB401;
	s13 =	simm.s32 $0x100;
	[tilespmem:s14+$0x36F0] =	vst @!p0 v7  }
.LBB2_8:
0x122: {  	v7 =	vld [tilespmem:s29+$0x0];
	s14 =	smov.u32 s13;
	s13 =	sadd.s32 $0x100, s13  }
0x123: {  	p0 =	sne.s32 s13, $0x4000;
	_ =	sdelay $0x3  }
0x124: {  	(v2sf) =	vpush v7, $0x0;
	_ =	sdelay $0xe  }
0x125: {  	s15 =	spop (v2sf)  }
0x126: {  	s26 =	sadd.s32 $0x80, s26;
	p1 =	slt.s32 s15, $0x1  }
0x127: {  	s14 =	sand.u32 @!p1 $0x3800, s14;
	s15 =	sand.u32 @!p1 $0x380, s26  }
0x128: {  	v7 =	vimm.f32 @!p1 $0.0e+00;
	s14 =	sor.u32 @!p1 s15, s14  }
0x129: {  	[tilespmem:s14+$0x3280] =	vst @!p1 v7  }
0x12a: {  	[tilespmem:s14+$0x3290] =	vst @!p1 v7  }
0x12b: {  	[tilespmem:s14+$0x32A0] =	vst @!p1 v7  }
0x12c: {  	[tilespmem:s14+$0x32B0] =	vst @!p1 v7  }
0x12d: {  	[tilespmem:s14+$0x32C0] =	vst @!p1 v7  }
0x12e: {  	[tilespmem:s14+$0x32D0] =	vst @!p1 v7  }
0x12f: {  	[tilespmem:s14+$0x32E0] =	vst @!p1 v7  }
0x130: {  	[tilespmem:s14+$0x32F0] =	vst @!p1 v7  }
0x131: {  	[tilespmem:s14+$0x3680] =	vst @!p1 v7  }
0x132: {  	[tilespmem:s14+$0x3690] =	vst @!p1 v7  }
0x133: {  	[tilespmem:s14+$0x36A0] =	vst @!p1 v7  }
.Ltmp3:
0x134: {  	[tilespmem:s14+$0x36B0] =	vst @!p1 v7;
	(pc) =	sbr.rel @p0 .LBB2_8-.Ltmp3, $4  }
0x135: {  	[tilespmem:s14+$0x36C0] =	vst @!p1 v7  }
0x136: {  	[tilespmem:s14+$0x36D0] =	vst @!p1 v7  }
0x137: {  	[tilespmem:s14+$0x36E0] =	vst @!p1 v7  }
0x138: {  	s29 =	sadd.s32 $0x1, s29;
	[tilespmem:s14+$0x36F0] =	vst @!p1 v7  }
0x139: {  	s26 =	simm.s32 $0x0;
	s13 =	rddreg [dreg:$0xf];
	s14 =	simm.s32 $0x3280  }
0x13a: {  	[hbm4b:s13+s26] =	stream.linear.scatter [tilespmem:s14], [sflag:$0x8], $0x4000, $0x38;
	[tilespmem:$0x1BD00] =	vst v63  }
0x13b: {  	_ =	swait.ge [sflag:s8], $0x5000  }
0x13c: {  	[sflag:s8] =	ssyncset.done $0x0  }
0x13d: {  	s14 =	simm.s32 $0xB2D8;
	[sflag:s8] =	ssyncadd.s32 $0xFFFFB000  }
0x13e: {  	v7 =	vld [tilespmem:s14+$0x0];
	_ =	sdelay $0x4  }
0x13f: {  	(v2sf) =	vpush v7, $0x0;
	_ =	sdelay $0xe  }
0x140: {  	s15 =	spop (v2sf)  }
0x141: {  	p0 =	slt.s32 s15, $0x1  }
0x142: {  	s13 =	sand.u32 @!p0 $0x7800, s26;
	s14 =	sand.u32 @!p0 $0x380, s26  }
0x143: {  	v7 =	vimm.f32 @!p0 $0.0e+00;
	s13 =	sor.u32 @!p0 s14, s13  }
0x144: {  	s14 =	sadd.s32 @!p0 $0x10D00, s13;
	[tilespmem:s13+$0x10D00] =	vst @!p0 v7  }
0x145: {  	[tilespmem:s14+$0x10] =	vst @!p0 v7  }
0x146: {  	[tilespmem:s14+$0x20] =	vst @!p0 v7  }
0x147: {  	[tilespmem:s14+$0x30] =	vst @!p0 v7  }
0x148: {  	[tilespmem:s14+$0x40] =	vst @!p0 v7  }
0x149: {  	[tilespmem:s14+$0x50] =	vst @!p0 v7  }
0x14a: {  	[tilespmem:s14+$0x60] =	vst @!p0 v7  }
0x14b: {  	[tilespmem:s14+$0x70] =	vst @!p0 v7  }
0x14c: {  	[tilespmem:s14+$0x400] =	vst @!p0 v7  }
0x14d: {  	[tilespmem:s14+$0x410] =	vst @!p0 v7  }
0x14e: {  	[tilespmem:s14+$0x420] =	vst @!p0 v7  }
0x14f: {  	[tilespmem:s14+$0x430] =	vst @!p0 v7  }
0x150: {  	[tilespmem:s14+$0x440] =	vst @!p0 v7  }
0x151: {  	[tilespmem:s14+$0x450] =	vst @!p0 v7  }
0x152: {  	[tilespmem:s14+$0x460] =	vst @!p0 v7  }
0x153: {  	s29 =	simm.s32 $0xB2D9;
	s13 =	simm.s32 $0x100;
	[tilespmem:s14+$0x470] =	vst @!p0 v7  }
.LBB2_10:
0x154: {  	v7 =	vld [tilespmem:s29+$0x0];
	s14 =	smov.u32 s13;
	s13 =	sadd.s32 $0x100, s13  }
0x155: {  	p0 =	sne.s32 s13, $0x5000;
	_ =	sdelay $0x3  }
0x156: {  	(v2sf) =	vpush v7, $0x0;
	_ =	sdelay $0xe  }
0x157: {  	s15 =	spop (v2sf)  }
0x158: {  	s26 =	sadd.s32 $0x80, s26;
	p1 =	slt.s32 s15, $0x1  }
0x159: {  	s14 =	sand.u32 @!p1 $0x7800, s14;
	s15 =	sand.u32 @!p1 $0x380, s26  }
0x15a: {  	v7 =	vimm.f32 @!p1 $0.0e+00;
	s14 =	sor.u32 @!p1 s15, s14  }
0x15b: {  	s15 =	sadd.s32 @!p1 $0x10D00, s14;
	[tilespmem:s14+$0x10D00] =	vst @!p1 v7  }
0x15c: {  	[tilespmem:s15+$0x10] =	vst @!p1 v7  }
0x15d: {  	[tilespmem:s15+$0x20] =	vst @!p1 v7  }
0x15e: {  	[tilespmem:s15+$0x30] =	vst @!p1 v7  }
0x15f: {  	[tilespmem:s15+$0x40] =	vst @!p1 v7  }
0x160: {  	[tilespmem:s15+$0x50] =	vst @!p1 v7  }
0x161: {  	[tilespmem:s15+$0x60] =	vst @!p1 v7  }
0x162: {  	[tilespmem:s15+$0x70] =	vst @!p1 v7  }
0x163: {  	[tilespmem:s15+$0x400] =	vst @!p1 v7  }
0x164: {  	[tilespmem:s15+$0x410] =	vst @!p1 v7  }
0x165: {  	[tilespmem:s15+$0x420] =	vst @!p1 v7  }
.Ltmp4:
0x166: {  	[tilespmem:s15+$0x430] =	vst @!p1 v7;
	(pc) =	sbr.rel @p0 .LBB2_10-.Ltmp4, $4  }
0x167: {  	[tilespmem:s15+$0x440] =	vst @!p1 v7  }
0x168: {  	[tilespmem:s15+$0x450] =	vst @!p1 v7  }
0x169: {  	[tilespmem:s15+$0x460] =	vst @!p1 v7  }
0x16a: {  	s29 =	sadd.s32 $0x1, s29;
	[tilespmem:s15+$0x470] =	vst @!p1 v7  }
0x16b: {  	s26 =	simm.s32 $0x0;
	s13 =	simm.s32 $0x10D00  }
0x16c: {  	[hbm4b:s16+s26] =	stream.linear.scatter [tilespmem:s13], [sflag:$0xE], $0x5000, $0x38;
	[tilespmem:$0x1BD00] =	vst v63  }
0x16d: {  	_ =	swait.ge [sflag:s9], $0x4000  }
0x16e: {  	[sflag:s9] =	ssyncset.done $0x0  }
0x16f: {  	s14 =	simm.s32 $0xB440;
	[sflag:s9] =	ssyncadd.s32 $0xFFFFC000  }
0x170: {  	v7 =	vld [tilespmem:s14+$0x0];
	_ =	sdelay $0x4  }
0x171: {  	(v2sf) =	vpush v7, $0x0;
	_ =	sdelay $0xe  }
0x172: {  	s15 =	spop (v2sf)  }
0x173: {  	s14 =	simm.s32 $0x4000;
	p0 =	slt.s32 s15, $0x1  }
0x174: {  	s13 =	sand.u32 @!p0 $0x7800, s14;
	s14 =	sand.u32 @!p0 $0x380, s26  }
0x175: {  	v7 =	vimm.f32 @!p0 $0.0e+00;
	s14 =	sor.u32 @!p0 s14, s13  }
0x176: {  	[tilespmem:s14+$0x3280] =	vst @!p0 v7  }
0x177: {  	[tilespmem:s14+$0x3290] =	vst @!p0 v7  }
0x178: {  	[tilespmem:s14+$0x32A0] =	vst @!p0 v7  }
0x179: {  	[tilespmem:s14+$0x32B0] =	vst @!p0 v7  }
0x17a: {  	[tilespmem:s14+$0x32C0] =	vst @!p0 v7  }
0x17b: {  	[tilespmem:s14+$0x32D0] =	vst @!p0 v7  }
0x17c: {  	[tilespmem:s14+$0x32E0] =	vst @!p0 v7  }
0x17d: {  	[tilespmem:s14+$0x32F0] =	vst @!p0 v7  }
0x17e: {  	[tilespmem:s14+$0x3680] =	vst @!p0 v7  }
0x17f: {  	[tilespmem:s14+$0x3690] =	vst @!p0 v7  }
0x180: {  	[tilespmem:s14+$0x36A0] =	vst @!p0 v7  }
0x181: {  	[tilespmem:s14+$0x36B0] =	vst @!p0 v7  }
0x182: {  	[tilespmem:s14+$0x36C0] =	vst @!p0 v7  }
0x183: {  	[tilespmem:s14+$0x36D0] =	vst @!p0 v7  }
0x184: {  	[tilespmem:s14+$0x36E0] =	vst @!p0 v7  }
0x185: {  	s29 =	simm.s32 $0xB441;
	s13 =	simm.s32 $0x4100;
	[tilespmem:s14+$0x36F0] =	vst @!p0 v7  }
.LBB2_12:
0x186: {  	v7 =	vld [tilespmem:s29+$0x0];
	s14 =	smov.u32 s13;
	s13 =	sadd.s32 $0x100, s13  }
0x187: {  	p0 =	sne.s32 s13, $0x8000;
	_ =	sdelay $0x3  }
0x188: {  	(v2sf) =	vpush v7, $0x0;
	_ =	sdelay $0xe  }
0x189: {  	s15 =	spop (v2sf)  }
0x18a: {  	s26 =	sadd.s32 $0x80, s26;
	p1 =	slt.s32 s15, $0x1  }
0x18b: {  	s14 =	sand.u32 @!p1 $0x7800, s14;
	s15 =	sand.u32 @!p1 $0x380, s26  }
0x18c: {  	v7 =	vimm.f32 @!p1 $0.0e+00;
	s14 =	sor.u32 @!p1 s15, s14  }
0x18d: {  	[tilespmem:s14+$0x3280] =	vst @!p1 v7  }
0x18e: {  	[tilespmem:s14+$0x3290] =	vst @!p1 v7  }
0x18f: {  	[tilespmem:s14+$0x32A0] =	vst @!p1 v7  }
0x190: {  	[tilespmem:s14+$0x32B0] =	vst @!p1 v7  }
0x191: {  	[tilespmem:s14+$0x32C0] =	vst @!p1 v7  }
0x192: {  	[tilespmem:s14+$0x32D0] =	vst @!p1 v7  }
0x193: {  	[tilespmem:s14+$0x32E0] =	vst @!p1 v7  }
0x194: {  	[tilespmem:s14+$0x32F0] =	vst @!p1 v7  }
0x195: {  	[tilespmem:s14+$0x3680] =	vst @!p1 v7  }
0x196: {  	[tilespmem:s14+$0x3690] =	vst @!p1 v7  }
0x197: {  	[tilespmem:s14+$0x36A0] =	vst @!p1 v7  }
.Ltmp5:
0x198: {  	[tilespmem:s14+$0x36B0] =	vst @!p1 v7;
	(pc) =	sbr.rel @p0 .LBB2_12-.Ltmp5, $4  }
0x199: {  	[tilespmem:s14+$0x36C0] =	vst @!p1 v7  }
0x19a: {  	[tilespmem:s14+$0x36D0] =	vst @!p1 v7  }
0x19b: {  	[tilespmem:s14+$0x36E0] =	vst @!p1 v7  }
0x19c: {  	s29 =	sadd.s32 $0x1, s29;
	[tilespmem:s14+$0x36F0] =	vst @!p1 v7  }
0x19d: {  	s26 =	simm.s32 $0x0  }
0x19e: {  	[hbm4b:s17+s26] =	stream.linear.scatter [tilespmem:s30], [sflag:$0x9], $0x4000, $0x38;
	[tilespmem:$0x1BD00] =	vst v63  }
0x19f: {  	_ =	swait.ge [sflag:s10], $0x5000  }
0x1a0: {  	[sflag:s10] =	ssyncset.done $0x0  }
0x1a1: {  	s13 =	simm.s32 $0xB328;
	[sflag:s10] =	ssyncadd.s32 $0xFFFFB000  }
0x1a2: {  	v7 =	vld [tilespmem:s13+$0x0];
	_ =	sdelay $0x4  }
0x1a3: {  	(v2sf) =	vpush v7, $0x0;
	_ =	sdelay $0xe  }
0x1a4: {  	s15 =	spop (v2sf)  }
0x1a5: {  	p0 =	slt.s32 s15, $0x1  }
0x1a6: {  	s13 =	sand.u32 @!p0 $0x7800, s26;
	s14 =	sand.u32 @!p0 $0x380, s26  }
0x1a7: {  	v7 =	vimm.f32 @!p0 $0.0e+00;
	s13 =	sor.u32 @!p0 s14, s13  }
0x1a8: {  	s14 =	sadd.s32 @!p0 $0x16500, s13;
	[tilespmem:s13+$0x16500] =	vst @!p0 v7  }
0x1a9: {  	[tilespmem:s14+$0x10] =	vst @!p0 v7  }
0x1aa: {  	[tilespmem:s14+$0x20] =	vst @!p0 v7  }
0x1ab: {  	[tilespmem:s14+$0x30] =	vst @!p0 v7  }
0x1ac: {  	[tilespmem:s14+$0x40] =	vst @!p0 v7  }
0x1ad: {  	[tilespmem:s14+$0x50] =	vst @!p0 v7  }
0x1ae: {  	[tilespmem:s14+$0x60] =	vst @!p0 v7  }
0x1af: {  	[tilespmem:s14+$0x70] =	vst @!p0 v7  }
0x1b0: {  	[tilespmem:s14+$0x400] =	vst @!p0 v7  }
0x1b1: {  	[tilespmem:s14+$0x410] =	vst @!p0 v7  }
0x1b2: {  	[tilespmem:s14+$0x420] =	vst @!p0 v7  }
0x1b3: {  	[tilespmem:s14+$0x430] =	vst @!p0 v7  }
0x1b4: {  	[tilespmem:s14+$0x440] =	vst @!p0 v7  }
0x1b5: {  	[tilespmem:s14+$0x450] =	vst @!p0 v7  }
0x1b6: {  	[tilespmem:s14+$0x460] =	vst @!p0 v7  }
0x1b7: {  	s29 =	simm.s32 $0xB329;
	s13 =	simm.s32 $0x100;
	[tilespmem:s14+$0x470] =	vst @!p0 v7  }
.LBB2_14:
0x1b8: {  	v7 =	vld [tilespmem:s29+$0x0];
	s14 =	smov.u32 s13;
	s13 =	sadd.s32 $0x100, s13  }
0x1b9: {  	p0 =	sne.s32 s13, $0x5000;
	_ =	sdelay $0x3  }
0x1ba: {  	(v2sf) =	vpush v7, $0x0;
	_ =	sdelay $0xe  }
0x1bb: {  	s15 =	spop (v2sf)  }
0x1bc: {  	s26 =	sadd.s32 $0x80, s26;
	p1 =	slt.s32 s15, $0x1  }
0x1bd: {  	s14 =	sand.u32 @!p1 $0x7800, s14;
	s15 =	sand.u32 @!p1 $0x380, s26  }
0x1be: {  	v7 =	vimm.f32 @!p1 $0.0e+00;
	s14 =	sor.u32 @!p1 s15, s14  }
0x1bf: {  	s15 =	sadd.s32 @!p1 $0x16500, s14;
	[tilespmem:s14+$0x16500] =	vst @!p1 v7  }
0x1c0: {  	[tilespmem:s15+$0x10] =	vst @!p1 v7  }
0x1c1: {  	[tilespmem:s15+$0x20] =	vst @!p1 v7  }
0x1c2: {  	[tilespmem:s15+$0x30] =	vst @!p1 v7  }
0x1c3: {  	[tilespmem:s15+$0x40] =	vst @!p1 v7  }
0x1c4: {  	[tilespmem:s15+$0x50] =	vst @!p1 v7  }
0x1c5: {  	[tilespmem:s15+$0x60] =	vst @!p1 v7  }
0x1c6: {  	[tilespmem:s15+$0x70] =	vst @!p1 v7  }
0x1c7: {  	[tilespmem:s15+$0x400] =	vst @!p1 v7  }
0x1c8: {  	[tilespmem:s15+$0x410] =	vst @!p1 v7  }
0x1c9: {  	[tilespmem:s15+$0x420] =	vst @!p1 v7  }
.Ltmp6:
0x1ca: {  	[tilespmem:s15+$0x430] =	vst @!p1 v7;
	(pc) =	sbr.rel @p0 .LBB2_14-.Ltmp6, $4  }
0x1cb: {  	[tilespmem:s15+$0x440] =	vst @!p1 v7  }
0x1cc: {  	[tilespmem:s15+$0x450] =	vst @!p1 v7  }
0x1cd: {  	[tilespmem:s15+$0x460] =	vst @!p1 v7  }
0x1ce: {  	s29 =	sadd.s32 $0x1, s29;
	[tilespmem:s15+$0x470] =	vst @!p1 v7  }
0x1cf: {  	s26 =	simm.s32 $0x0;
	s13 =	simm.s32 $0x16500  }
0x1d0: {  	[hbm4b:s18+s26] =	stream.linear.scatter [tilespmem:s13], [sflag:$0xF], $0x5000, $0x38;
	[tilespmem:$0x1BD00] =	vst v63  }
0x1d1: {  	_ =	swait.ge [sflag:s0], $0x5000  }
0x1d2: {  	[sflag:s0] =	ssyncset.done $0x0  }
0x1d3: {  	s14 =	simm.s32 $0xB378;
	[sflag:s0] =	ssyncadd.s32 $0xFFFFB000  }
0x1d4: {  	v7 =	vld [tilespmem:s14+$0x0];
	_ =	sdelay $0x4  }
0x1d5: {  	(v2sf) =	vpush v7, $0x0;
	_ =	sdelay $0xe  }
0x1d6: {  	s15 =	spop (v2sf)  }
0x1d7: {  	p0 =	slt.s32 s15, $0x1  }
0x1d8: {  	s13 =	sand.u32 @!p0 $0x7800, s26;
	s14 =	sand.u32 @!p0 $0x380, s26  }
0x1d9: {  	v7 =	vimm.f32 @!p0 $0.0e+00;
	s14 =	sor.u32 @!p0 s14, s13  }
0x1da: {  	[tilespmem:s14+$0xB500] =	vst @!p0 v7  }
0x1db: {  	[tilespmem:s14+$0xB510] =	vst @!p0 v7  }
0x1dc: {  	[tilespmem:s14+$0xB520] =	vst @!p0 v7  }
0x1dd: {  	[tilespmem:s14+$0xB530] =	vst @!p0 v7  }
0x1de: {  	[tilespmem:s14+$0xB540] =	vst @!p0 v7  }
0x1df: {  	[tilespmem:s14+$0xB550] =	vst @!p0 v7  }
0x1e0: {  	[tilespmem:s14+$0xB560] =	vst @!p0 v7  }
0x1e1: {  	[tilespmem:s14+$0xB570] =	vst @!p0 v7  }
0x1e2: {  	[tilespmem:s14+$0xB900] =	vst @!p0 v7  }
0x1e3: {  	[tilespmem:s14+$0xB910] =	vst @!p0 v7  }
0x1e4: {  	[tilespmem:s14+$0xB920] =	vst @!p0 v7  }
0x1e5: {  	[tilespmem:s14+$0xB930] =	vst @!p0 v7  }
0x1e6: {  	[tilespmem:s14+$0xB940] =	vst @!p0 v7  }
0x1e7: {  	[tilespmem:s14+$0xB950] =	vst @!p0 v7  }
0x1e8: {  	[tilespmem:s14+$0xB960] =	vst @!p0 v7  }
0x1e9: {  	s29 =	simm.s32 $0xB379;
	s13 =	simm.s32 $0x100;
	[tilespmem:s14+$0xB970] =	vst @!p0 v7  }
.LBB2_16:
0x1ea: {  	v7 =	vld [tilespmem:s29+$0x0];
	s14 =	smov.u32 s13;
	s13 =	sadd.s32 $0x100, s13  }
0x1eb: {  	p0 =	sne.s32 s13, $0x5000;
	_ =	sdelay $0x3  }
0x1ec: {  	(v2sf) =	vpush v7, $0x0;
	_ =	sdelay $0xe  }
0x1ed: {  	s15 =	spop (v2sf)  }
0x1ee: {  	s26 =	sadd.s32 $0x80, s26;
	p1 =	slt.s32 s15, $0x1  }
0x1ef: {  	s14 =	sand.u32 @!p1 $0x7800, s14;
	s15 =	sand.u32 @!p1 $0x380, s26  }
0x1f0: {  	v7 =	vimm.f32 @!p1 $0.0e+00;
	s14 =	sor.u32 @!p1 s15, s14  }
0x1f1: {  	[tilespmem:s14+$0xB500] =	vst @!p1 v7  }
0x1f2: {  	[tilespmem:s14+$0xB510] =	vst @!p1 v7  }
0x1f3: {  	[tilespmem:s14+$0xB520] =	vst @!p1 v7  }
0x1f4: {  	[tilespmem:s14+$0xB530] =	vst @!p1 v7  }
0x1f5: {  	[tilespmem:s14+$0xB540] =	vst @!p1 v7  }
0x1f6: {  	[tilespmem:s14+$0xB550] =	vst @!p1 v7  }
0x1f7: {  	[tilespmem:s14+$0xB560] =	vst @!p1 v7  }
0x1f8: {  	[tilespmem:s14+$0xB570] =	vst @!p1 v7  }
0x1f9: {  	[tilespmem:s14+$0xB900] =	vst @!p1 v7  }
0x1fa: {  	[tilespmem:s14+$0xB910] =	vst @!p1 v7  }
0x1fb: {  	[tilespmem:s14+$0xB920] =	vst @!p1 v7  }
.Ltmp7:
0x1fc: {  	[tilespmem:s14+$0xB930] =	vst @!p1 v7;
	(pc) =	sbr.rel @p0 .LBB2_16-.Ltmp7, $4  }
0x1fd: {  	[tilespmem:s14+$0xB940] =	vst @!p1 v7  }
0x1fe: {  	[tilespmem:s14+$0xB950] =	vst @!p1 v7  }
0x1ff: {  	[tilespmem:s14+$0xB960] =	vst @!p1 v7  }
0x200: {  	s29 =	sadd.s32 $0x1, s29;
	[tilespmem:s14+$0xB970] =	vst @!p1 v7  }
0x201: {  	[hbm4b:s19+s5] =	stream.linear.scatter [tilespmem:s23], [sflag:$0xD], $0x5000, $0x38;
	[tilespmem:$0x1BD00] =	vst v63  }
0x202: {  	_ =	swait.ge [sflag:s21], $0x5000  }
0x203: {  	[sflag:s21] =	ssyncset.done $0x0  }
0x204: {  	[sflag:s21] =	ssyncadd.s32 $0xFFFFB000  }
0x205: {  	_ =	swait.ge [sflag:s11], $0x5000  }
0x206: {  	[sflag:s11] =	ssyncset.done $0x0  }
0x207: {  	[sflag:s11] =	ssyncadd.s32 $0xFFFFB000  }
0x208: {  	_ =	swait.ge [sflag:s4], $0x5000  }
0x209: {  	[sflag:s4] =	ssyncset.done $0x0  }
0x20a: {  	[sflag:s4] =	ssyncadd.s32 $0xFFFFB000  }
0x20b: {  	_ =	swait.ge [sflag:s12], $0x4000  }
0x20c: {  	[sflag:s12] =	ssyncset.done $0x0  }
0x20d: {  	s25 =	sadd.s32 $0x1, s25;
	[sflag:s12] =	ssyncadd.s32 $0xFFFFC000  }
0x20e: {  	p0 =	sne.s32 s25, s20;
	_ =	swait.ge [sflag:s24], $0x4000  }
.Ltmp8:
0x20f: {  	[sflag:s24] =	ssyncset.done $0x0;
	(pc) =	sbr.rel @p0 .LBB2_1-.Ltmp8, $4  }
0x210: {  	[sflag:s24] =	ssyncadd.s32 $0xFFFFC000  }
0x211: {  	_ =	swait.ge [sflag:s2], $0x2000  }
0x212: {  	[sflag:s2] =	ssyncset.done $0x0  }
0x213: {  	[sflag:s2] =	ssyncadd.s32 $0xFFFFE000  }
0x214: {  	_ =	sfence.sel $0x180000  }
0x215: {  	[bflag:$0x0] =	sbarrier.arrive $0xFFFF  }
0x216: {  	_ =	strace $0x90000047  }
0x217: {  	s0 =	stileid.u32;
	[bflag:$0x2] =	sbarrier.arrive $0xFFFF  }
0x218: {  	p0 =	sne.s32 s0, $0x0;
	s0 =	rddreg [dreg:$0x5]  }
0x219: {  	s0 =	sadd.s32 @!p0 $0x100000, s0  }
0x21a: {  	[sflag:s0] =	ssyncadd.tile.s32 @!p0 $0x1;
	_ =	shalt  }
.Lfunc_end2:
_tile_overlayer_lowered:
.L_overlay_start_2:
0x21b: {  	(tag) =	ssettag $0x2  }
0x21c: {  	s0 =	rddreg [dreg:$0x0];
	s2 =	stileid.u32  }
0x21d: {  	s1 =	rddreg [dreg:$0x1];
	p0 =	sne.s32 s2, $0x0  }
0x21e: {  	s3 =	rddreg [dreg:$0x2];
	[bflag:$0x3] =	sbarrier.arrive $0xFFFF;
	s2 =	simm.s32 @!p0 $0x1C10  }
0x21f: {  	[timem:s3], [sflag:s2] =	dma.local @!p0 [hbm:s0], s1  }
0x220: {  	s0 =	simm.s32 @!p0 $0x10  }
0x221: {  	_ =	swait.ge @!p0 [sflag:s0], s1  }
0x222: {  	s1 =	ssub.s32 @!p0 $0x0, s1;
	[sflag:s0] =	ssyncset.done @!p0 $0x0  }
0x223: {  	[sflag:s0] =	ssyncadd.s32 @!p0 s1  }
0x224: {  	[bflag:$0x3] =	sbarrier.arrive $0xFFFF  }
0x225: {  	_ =	shalt  }

</sc_bundles>
